<compile_context>
chip_gen: v7x
topology: tpu7x:2x2x1
jax: 0.10.2.dev20260603
libtpu: 0.0.44.dev20260713+nightly
codegen_flags: <defaults>
</compile_context>

<pallas_src>
import functools

import jax
import jax.numpy as jnp
from jax import lax
from jax.experimental import pallas as pl
from jax.experimental.pallas import tpu as pltpu
from jax.experimental.pallas import tpu_sc as plsc

LIST_DIM = 4
N_NODES = 10000
N_PAD = 10240
N_EDGES = 320000
D = 128

N_TILES = 16
EDGES_PER_TILE = N_EDGES // N_TILES
BATCH = 128
CHUNK = 32
N_BATCH = 160
N_CHUNK = N_BATCH // CHUNK
EDGES_PAD = N_BATCH * BATCH
ROWS_PER_TILE = N_PAD // N_TILES
DUMMY_ROW = N_NODES


def _sc_agg_body(xflat, gidx, sidx, zeros, agg, acc, gidx_v, sidx_v,
                 rows, sem):
    c = lax.axis_index("c")
    t = lax.axis_index("s")
    row0 = t * ROWS_PER_TILE

    for l in range(LIST_DIM):
        pltpu.sync_copy(zeros.at[pl.ds(row0, ROWS_PER_TILE)],
                        acc.at[pl.ds(row0, ROWS_PER_TILE)])
        plsc.subcore_barrier()

        def chunk_body(k, carry):
            b0 = k * CHUNK
            pltpu.sync_copy(gidx.at[c, l, t, pl.ds(b0, CHUNK)], gidx_v)
            pltpu.sync_copy(sidx.at[c, t, pl.ds(b0, CHUNK)], sidx_v)

            pltpu.async_copy(xflat.at[gidx_v.at[0]], rows.at[pl.ds(0, BATCH)],
                             sem)
            pltpu.async_copy(xflat.at[gidx_v.at[1]],
                             rows.at[pl.ds(BATCH, BATCH)], sem)

            def body(b, carry2):
                slot = (b % 2) * BATCH
                buf = rows.at[pl.ds(slot, BATCH)]
                pltpu.make_async_copy(xflat.at[gidx_v.at[b]], buf, sem).wait()
                pltpu.sync_copy(buf, acc.at[sidx_v.at[b]], add=True)

                @pl.when(b + 2 < CHUNK)
                def _():
                    pltpu.async_copy(xflat.at[gidx_v.at[b + 2]], buf, sem)

                return carry2

            lax.fori_loop(0, CHUNK, body, 0)
            return carry

        lax.fori_loop(0, N_CHUNK, chunk_body, 0)
        plsc.subcore_barrier()

        pltpu.sync_copy(acc.at[pl.ds(row0, ROWS_PER_TILE)],
                        agg.at[c, l, pl.ds(row0, ROWS_PER_TILE)])
        plsc.subcore_barrier()


def _make_sc_agg():
    mesh = plsc.VectorSubcoreMesh(core_axis_name="c", subcore_axis_name="s")
    return functools.partial(
        pl.kernel,
        out_type=jax.ShapeDtypeStruct((2, LIST_DIM, N_PAD, D), jnp.float32),
        mesh=mesh,
        scratch_types=[
            pltpu.VMEM_SHARED((N_PAD, D), jnp.float32),
            pltpu.VMEM((CHUNK, BATCH), jnp.int32),
            pltpu.VMEM((CHUNK, BATCH), jnp.int32),
            pltpu.VMEM((2 * BATCH, D), jnp.float32),
            pltpu.SemaphoreType.DMA,
        ],
    )(_sc_agg_body)


def _tc_body(x_ref, in_ref, og_ref, wl_ref, bl_ref, wa_ref, ba_ref,
             wo_ref, bo_ref, g1_ref, c1_ref, wm_ref, bm_ref, g2_ref, c2_ref,
             o_ref):
    f32 = jnp.float32
    p = jnp.dot(x_ref[0], wl_ref[...], preferred_element_type=f32) + bl_ref[...]
    ai = jnp.dot(in_ref[0], wa_ref[...], preferred_element_type=f32) + ba_ref[...]
    ao = jnp.dot(og_ref[0], wo_ref[...], preferred_element_type=f32) + bo_ref[...]
    o = jnp.concatenate([p, ai, ao], axis=-1)
    o = o * jax.nn.sigmoid(o)
    m = jnp.mean(o, axis=-1, keepdims=True)
    v = jnp.mean((o - m) ** 2, axis=-1, keepdims=True)
    o = (o - m) * lax.rsqrt(v + 1e-5) * g1_ref[...] + c1_ref[...]
    h = jnp.dot(o, wm_ref[...], preferred_element_type=f32) + bm_ref[...]
    h = h * jax.nn.sigmoid(h)
    m2 = jnp.mean(h, axis=-1, keepdims=True)
    v2 = jnp.mean((h - m2) ** 2, axis=-1, keepdims=True)
    o_ref[0] = (h - m2) * lax.rsqrt(v2 + 1e-5) * g2_ref[...] + c2_ref[...]


def _make_tc_dense(block):
    grid = (LIST_DIM, N_NODES // block)
    row_spec = pl.BlockSpec((1, block, D), lambda l, i: (l, i, 0))
    full = lambda shape: pl.BlockSpec(shape, lambda l, i: (0,) * len(shape))
    return pl.pallas_call(
        _tc_body,
        grid=grid,
        in_specs=[
            row_spec, row_spec, row_spec,
            full((D, D)), full((1, D)),
            full((D, D)), full((1, D)),
            full((D, D)), full((1, D)),
            full((1, 3 * D)), full((1, 3 * D)),
            full((3 * D, D)), full((1, D)),
            full((1, D)), full((1, D)),
        ],
        out_specs=row_spec,
        out_shape=jax.ShapeDtypeStruct((LIST_DIM, N_NODES, D), jnp.float32),
    )


@jax.jit
def kernel(x, edge_index, W_lin, b_lin, W_ain, b_ain, W_aout, b_aout,
           ln1_g, ln1_b, W_mlp, b_mlp, ln2_g, ln2_b):
    xflat = x.reshape(LIST_DIM * N_NODES, D)

    ei = edge_index.astype(jnp.int32)
    dst, src = ei[0], ei[1]
    shift = (jnp.arange(LIST_DIM, dtype=jnp.int32) * N_NODES)[None, :, None, None]
    n_dummy = EDGES_PAD - EDGES_PER_TILE
    g = jnp.stack([src, dst]).reshape(2, 1, N_TILES, EDGES_PER_TILE) + shift
    gpad = jnp.zeros((2, LIST_DIM, N_TILES, n_dummy), jnp.int32)
    gidx = jnp.concatenate([jnp.broadcast_to(g, (2, LIST_DIM, N_TILES,
                                                 EDGES_PER_TILE)), gpad],
                           axis=-1)
    gidx = gidx.reshape(2, LIST_DIM, N_TILES, N_BATCH, BATCH)
    s = jnp.stack([dst, src]).reshape(2, N_TILES, EDGES_PER_TILE)
    spad = jnp.full((2, N_TILES, n_dummy), DUMMY_ROW, jnp.int32)
    sidx = jnp.concatenate([s, spad], axis=-1).reshape(2, N_TILES, N_BATCH, BATCH)
    zeros = jnp.zeros((N_PAD, D), jnp.float32)

    agg = _make_sc_agg()(xflat, gidx, sidx, zeros)

    out = _make_tc_dense(1000)(
        x, agg[0], agg[1],
        W_lin.T, b_lin[None, :], W_ain.T, b_ain[None, :],
        W_aout.T, b_aout[None, :], ln1_g[None, :], ln1_b[None, :],
        W_mlp.T, b_mlp[None, :], ln2_g[None, :], ln2_b[None, :],
    )
    return out

# --- scband reference (transcript-rebuilt; emitter-appended) ---
"""Pipeline reference for scband-sageconv-v3-14851996909838 (READ-ONLY COPY).

The authoritative reference and input builder live on the scoring server;
editing this copy changes nothing except your own understanding.
"""

import jax, jax.numpy as jnp
import numpy as np

LIST_DIM = 4
N_NODES = 10000
N_EDGES = 320000
D_IN = 128
D_OUT = 128


def layer_norm(x, g, b, eps=1e-5):
    m = jnp.mean(x, axis=-1, keepdims=True)
    v = jnp.mean((x - m) ** 2, axis=-1, keepdims=True)
    return (x - m) / jnp.sqrt(v + eps) * g + b


def setup_inputs(seed: int = 0) -> dict:
    key = jax.random.key(seed)
    ks = jax.random.split(key, 16)
    x = jax.random.normal(ks[0], (LIST_DIM, N_NODES, D_IN), dtype=jnp.float32)
    edge_index = jax.random.randint(ks[1], (2, N_EDGES), 0, N_NODES, dtype=jnp.int64) if jax.config.jax_enable_x64 else jax.random.randint(ks[1], (2, N_EDGES), 0, N_NODES).astype(jnp.int32)
    s = 1.0 / np.sqrt(D_IN)
    W_lin = jax.random.uniform(ks[2], (D_OUT, D_IN), minval=-s, maxval=s, dtype=jnp.float32)
    b_lin = jax.random.uniform(ks[3], (D_OUT,), minval=-s, maxval=s, dtype=jnp.float32)
    W_ain = jax.random.uniform(ks[4], (D_OUT, D_IN), minval=-s, maxval=s, dtype=jnp.float32)
    b_ain = jax.random.uniform(ks[5], (D_OUT,), minval=-s, maxval=s, dtype=jnp.float32)
    W_aout = jax.random.uniform(ks[6], (D_OUT, D_IN), minval=-s, maxval=s, dtype=jnp.float32)
    b_aout = jax.random.uniform(ks[7], (D_OUT,), minval=-s, maxval=s, dtype=jnp.float32)
    ln1_g = jnp.ones((3 * D_OUT,), dtype=jnp.float32)
    ln1_b = jnp.zeros((3 * D_OUT,), dtype=jnp.float32)
    s2 = 1.0 / np.sqrt(3 * D_OUT)
    W_mlp = jax.random.uniform(ks[8], (D_OUT, 3 * D_OUT), minval=-s2, maxval=s2, dtype=jnp.float32)
    b_mlp = jax.random.uniform(ks[9], (D_OUT,), minval=-s2, maxval=s2, dtype=jnp.float32)
    ln2_g = jnp.ones((D_OUT,), dtype=jnp.float32)
    ln2_b = jnp.zeros((D_OUT,), dtype=jnp.float32)
    return {
        "x": x, "edge_index": edge_index,
        "W_lin": W_lin, "b_lin": b_lin,
        "W_ain": W_ain, "b_ain": b_ain,
        "W_aout": W_aout, "b_aout": b_aout,
        "ln1_g": ln1_g, "ln1_b": ln1_b,
        "W_mlp": W_mlp, "b_mlp": b_mlp,
        "ln2_g": ln2_g, "ln2_b": ln2_b,
    }


def reference(x, edge_index, W_lin, b_lin, W_ain, b_ain, W_aout, b_aout, ln1_g, ln1_b, W_mlp, b_mlp, ln2_g, ln2_b):
    list_dim, graph_dim, inp_dim = x.shape
    projection = x @ W_lin.T + b_lin
    xf = jnp.transpose(x, (1, 0, 2)).reshape(graph_dim, -1)
    dst = edge_index[0]
    src = edge_index[1]
    # connection_matrix_in @ xf  (conn_in[dst, src] = 1)
    in_coming = jax.ops.segment_sum(jnp.take(xf, src, axis=0), dst, num_segments=graph_dim)
    # connection_matrix_out = conn_in^T
    out_going = jax.ops.segment_sum(jnp.take(xf, dst, axis=0), src, num_segments=graph_dim)
    in_coming = jnp.transpose(in_coming.reshape(graph_dim, list_dim, inp_dim), (1, 0, 2))
    out_going = jnp.transpose(out_going.reshape(graph_dim, list_dim, inp_dim), (1, 0, 2))
    agg_in = in_coming @ W_ain.T + b_ain
    agg_out = out_going @ W_aout.T + b_aout
    output = jnp.concatenate([projection, agg_in, agg_out], axis=-1)
    output = jax.nn.silu(output)
    output = layer_norm(output, ln1_g, ln1_b)
    output = output @ W_mlp.T + b_mlp
    output = jax.nn.silu(output)
    output = layer_norm(output, ln2_g, ln2_b)
    return output

if __name__ == "__main__":
    import jax
    _d = setup_inputs()
    print(jax.jit(kernel)(*tuple(_d.values())))

</pallas_src>

<mosaic_0001>
#map = affine_map<(d0, d1) -> (0, 0)>
#map1 = affine_map<(d0, d1) -> (0, 0, 0, 0, 0)>
#map2 = affine_map<(d0, d1) -> (0, 0, 0, 0)>
module attributes {stable_mosaic.version = 14 : i64} {
  func.func @_sc_agg_body(%arg0: i32, %arg1: i32, %arg2: memref<40000x128xf32, #tpu.memory_space<hbm>>, %arg3: memref<2x4x16x160x128xi32, #tpu.memory_space<hbm>>, %arg4: memref<2x16x160x128xi32, #tpu.memory_space<hbm>>, %arg5: memref<10240x128xf32, #tpu.memory_space<hbm>>, %arg6: memref<2x4x10240x128xf32, #tpu.memory_space<hbm>>, %arg7: memref<10240x128xf32, #tpu.memory_space<vmem_shared>>, %arg8: memref<32x128xi32, #tpu.memory_space<vmem>>, %arg9: memref<32x128xi32, #tpu.memory_space<vmem>>, %arg10: memref<256x128xf32, #tpu.memory_space<vmem>>, %arg11: memref<!tpu.dma_semaphore, #tpu.memory_space<semaphore_mem>>) attributes {dimension_semantics = [#tpu.dimension_semantics<core_parallel>, #tpu.dimension_semantics<subcore_parallel>], iteration_bounds = array<i64: 2, 16>, scalar_prefetch = 0 : i64, scratch_operands = 5 : i64, tpu.core_type = #tpu.core_type<sc_vector_subcore>, window_params = [{transform_indices = #map}, {transform_indices = #map1}, {transform_indices = #map2}, {transform_indices = #map}, {transform_indices = #map2}]} {
    %mul3A = arith.constant 640 : i32
    %mul3A_0 = arith.muli %arg1, %mul3A : i32
    "tpu.region"() ({
      %run_scoped3A_38 = tpu.sem_alloc : memref<!tpu.dma_semaphore, #tpu.memory_space<semaphore_mem>>
      %dma_start3A = arith.constant 0 : i32
      %dma_start3A_39 = tpu.memref_slice %arg7[%mul3A_0, %dma_start3A] : memref<10240x128xf32, #tpu.memory_space<vmem_shared>> -> memref<640x128xf32, #tpu.memory_space<vmem_shared>>
      %dma_start3A_40 = arith.constant 0 : i32
      %dma_start3A_41 = tpu.memref_slice %arg5[%mul3A_0, %dma_start3A_40] : memref<10240x128xf32, #tpu.memory_space<hbm>> -> memref<640x128xf32, #tpu.memory_space<hbm>>
      tpu.enqueue_dma source(%dma_start3A_41 : memref<640x128xf32, #tpu.memory_space<hbm>>) target(%dma_start3A_39 : memref<640x128xf32, #tpu.memory_space<vmem_shared>>) target_semaphore(%run_scoped3A_38 : memref<!tpu.dma_semaphore, #tpu.memory_space<semaphore_mem>>)
      %dma_wait3A = arith.constant 0 : i32
      %dma_wait3A_42 = tpu.memref_slice %arg7[%mul3A_0, %dma_wait3A] : memref<10240x128xf32, #tpu.memory_space<vmem_shared>> -> memref<640x128xf32, #tpu.memory_space<vmem_shared>>
      %dma_wait3A_43 = arith.constant 0 : i32
      %dma_wait3A_44 = tpu.memref_slice %arg5[%mul3A_0, %dma_wait3A_43] : memref<10240x128xf32, #tpu.memory_space<hbm>> -> memref<640x128xf32, #tpu.memory_space<hbm>>
      tpu.wait_dma2 semaphore(%run_scoped3A_38 : memref<!tpu.dma_semaphore, #tpu.memory_space<semaphore_mem>>) src(%dma_wait3A_44 : memref<640x128xf32, #tpu.memory_space<hbm>>) dst(%dma_wait3A_42 : memref<640x128xf32, #tpu.memory_space<vmem_shared>>)
      tpu.yield
    }) : () -> ()
    %barrier3A = arith.constant 0 : index
    tpu.barrier barrier_id(%barrier3A)
    %scan3A = arith.constant 0 : i32
    %scan3A_1 = arith.constant 0 : i32
    %scan3A_2 = arith.constant 5 : i32
    %scan3A_3 = arith.addi %scan3A_1, %scan3A_2 : i32
    %scan3A_4 = arith.constant 1 : i32
    scf.for %scan3A_38 = %scan3A_1 to %scan3A_3 step %scan3A_4  : i32 {
      %mul3A_39 = arith.constant 32 : i32
      %mul3A_40 = arith.muli %scan3A_38, %mul3A_39 : i32
      %run_scoped3A_41 = arith.constant 0 : i32
      "tpu.region"() ({
        %run_scoped3A_67 = tpu.sem_alloc : memref<!tpu.dma_semaphore, #tpu.memory_space<semaphore_mem>>
        %dma_start3A_68 = arith.constant 0 : i32
        %dma_start3A_69 = tpu.memref_slice %arg3[%arg0, %run_scoped3A_41, %arg1, %mul3A_40, %dma_start3A_68] : memref<2x4x16x160x128xi32, #tpu.memory_space<hbm>> -> memref<1x1x1x32x128xi32, #tpu.memory_space<hbm>>
        %dma_start3A_70 = tpu.memref_squeeze %dma_start3A_69 : memref<1x1x1x32x128xi32, #tpu.memory_space<hbm>> -> memref<32x128xi32, #tpu.memory_space<hbm>>
        %dma_start3A_71 = arith.constant 0 : i32
        %dma_start3A_72 = tpu.memref_slice %arg3[%arg0, %run_scoped3A_41, %arg1, %mul3A_40, %dma_start3A_71] : memref<2x4x16x160x128xi32, #tpu.memory_space<hbm>> -> memref<1x1x1x32x128xi32, #tpu.memory_space<hbm>>
        %dma_start3A_73 = tpu.memref_squeeze %dma_start3A_72 : memref<1x1x1x32x128xi32, #tpu.memory_space<hbm>> -> memref<32x128xi32, #tpu.memory_space<hbm>>
        tpu.enqueue_dma source(%dma_start3A_73 : memref<32x128xi32, #tpu.memory_space<hbm>>) target(%arg8 : memref<32x128xi32, #tpu.memory_space<vmem>>) target_semaphore(%run_scoped3A_67 : memref<!tpu.dma_semaphore, #tpu.memory_space<semaphore_mem>>)
        %dma_wait3A = arith.constant 0 : i32
        %dma_wait3A_74 = tpu.memref_slice %arg3[%arg0, %run_scoped3A_41, %arg1, %mul3A_40, %dma_wait3A] : memref<2x4x16x160x128xi32, #tpu.memory_space<hbm>> -> memref<1x1x1x32x128xi32, #tpu.memory_space<hbm>>
        %dma_wait3A_75 = tpu.memref_squeeze %dma_wait3A_74 : memref<1x1x1x32x128xi32, #tpu.memory_space<hbm>> -> memref<32x128xi32, #tpu.memory_space<hbm>>
        %dma_wait3A_76 = arith.constant 0 : i32
        %dma_wait3A_77 = tpu.memref_slice %arg3[%arg0, %run_scoped3A_41, %arg1, %mul3A_40, %dma_wait3A_76] : memref<2x4x16x160x128xi32, #tpu.memory_space<hbm>> -> memref<1x1x1x32x128xi32, #tpu.memory_space<hbm>>
        %dma_wait3A_78 = tpu.memref_squeeze %dma_wait3A_77 : memref<1x1x1x32x128xi32, #tpu.memory_space<hbm>> -> memref<32x128xi32, #tpu.memory_space<hbm>>
        tpu.wait_dma2 semaphore(%run_scoped3A_67 : memref<!tpu.dma_semaphore, #tpu.memory_space<semaphore_mem>>) src(%dma_wait3A_78 : memref<32x128xi32, #tpu.memory_space<hbm>>) dst(%arg8 : memref<32x128xi32, #tpu.memory_space<vmem>>)
        tpu.yield
      }) : () -> ()
      "tpu.region"() ({
        %run_scoped3A_67 = tpu.sem_alloc : memref<!tpu.dma_semaphore, #tpu.memory_space<semaphore_mem>>
        %dma_start3A_68 = arith.constant 0 : i32
        %dma_start3A_69 = tpu.memref_slice %arg4[%arg0, %arg1, %mul3A_40, %dma_start3A_68] : memref<2x16x160x128xi32, #tpu.memory_space<hbm>> -> memref<1x1x32x128xi32, #tpu.memory_space<hbm>>
        %dma_start3A_70 = tpu.memref_squeeze %dma_start3A_69 : memref<1x1x32x128xi32, #tpu.memory_space<hbm>> -> memref<32x128xi32, #tpu.memory_space<hbm>>
        %dma_start3A_71 = arith.constant 0 : i32
        %dma_start3A_72 = tpu.memref_slice %arg4[%arg0, %arg1, %mul3A_40, %dma_start3A_71] : memref<2x16x160x128xi32, #tpu.memory_space<hbm>> -> memref<1x1x32x128xi32, #tpu.memory_space<hbm>>
        %dma_start3A_73 = tpu.memref_squeeze %dma_start3A_72 : memref<1x1x32x128xi32, #tpu.memory_space<hbm>> -> memref<32x128xi32, #tpu.memory_space<hbm>>
        tpu.enqueue_dma source(%dma_start3A_73 : memref<32x128xi32, #tpu.memory_space<hbm>>) target(%arg9 : memref<32x128xi32, #tpu.memory_space<vmem>>) target_semaphore(%run_scoped3A_67 : memref<!tpu.dma_semaphore, #tpu.memory_space<semaphore_mem>>)
        %dma_wait3A = arith.constant 0 : i32
        %dma_wait3A_74 = tpu.memref_slice %arg4[%arg0, %arg1, %mul3A_40, %dma_wait3A] : memref<2x16x160x128xi32, #tpu.memory_space<hbm>> -> memref<1x1x32x128xi32, #tpu.memory_space<hbm>>
        %dma_wait3A_75 = tpu.memref_squeeze %dma_wait3A_74 : memref<1x1x32x128xi32, #tpu.memory_space<hbm>> -> memref<32x128xi32, #tpu.memory_space<hbm>>
        %dma_wait3A_76 = arith.constant 0 : i32
        %dma_wait3A_77 = tpu.memref_slice %arg4[%arg0, %arg1, %mul3A_40, %dma_wait3A_76] : memref<2x16x160x128xi32, #tpu.memory_space<hbm>> -> memref<1x1x32x128xi32, #tpu.memory_space<hbm>>
        %dma_wait3A_78 = tpu.memref_squeeze %dma_wait3A_77 : memref<1x1x32x128xi32, #tpu.memory_space<hbm>> -> memref<32x128xi32, #tpu.memory_space<hbm>>
        tpu.wait_dma2 semaphore(%run_scoped3A_67 : memref<!tpu.dma_semaphore, #tpu.memory_space<semaphore_mem>>) src(%dma_wait3A_78 : memref<32x128xi32, #tpu.memory_space<hbm>>) dst(%arg9 : memref<32x128xi32, #tpu.memory_space<vmem>>)
        tpu.yield
      }) : () -> ()
      %dma_start3A = arith.constant 0 : i32
      %dma_start3A_42 = arith.constant 0 : i32
      %dma_start3A_43 = arith.constant 0 : i32
      %dma_start3A_44 = tpu.memref_slice %arg10[%dma_start3A_42, %dma_start3A_43] : memref<256x128xf32, #tpu.memory_space<vmem>> -> memref<128x128xf32, #tpu.memory_space<vmem>>
      %dma_start3A_45 = arith.constant 0 : i32
      %dma_start3A_46 = tpu.memref_slice %arg8[%dma_start3A, %dma_start3A_45] : memref<32x128xi32, #tpu.memory_space<vmem>> -> memref<1x128xi32, #tpu.memory_space<vmem>>
      %dma_start3A_47 = tpu.memref_squeeze %dma_start3A_46 : memref<1x128xi32, #tpu.memory_space<vmem>> -> memref<128xi32, #tpu.memory_space<vmem>>
      %dma_start3A_48 = arith.constant 0 : i32
      %dma_start3A_49 = arith.constant 0 : i32
      %dma_start3A_50 = tpu.memref_slice %arg2[%dma_start3A_48, %dma_start3A_49] : memref<40000x128xf32, #tpu.memory_space<hbm>> -> memref<40000x128xf32, #tpu.memory_space<hbm>>
      tpu.enqueue_indirect_dma source(%dma_start3A_50 : memref<40000x128xf32, #tpu.memory_space<hbm>>) target(%dma_start3A_44 : memref<128x128xf32, #tpu.memory_space<vmem>>) offsets(%dma_start3A_47 : memref<128xi32, #tpu.memory_space<vmem>>) semaphore(%arg11 : memref<!tpu.dma_semaphore, #tpu.memory_space<semaphore_mem>>)
      %dma_start3A_51 = arith.constant 1 : i32
      %dma_start3A_52 = arith.constant 128 : i32
      %dma_start3A_53 = arith.constant 0 : i32
      %dma_start3A_54 = tpu.memref_slice %arg10[%dma_start3A_52, %dma_start3A_53] : memref<256x128xf32, #tpu.memory_space<vmem>> -> memref<128x128xf32, #tpu.memory_space<vmem>>
      %dma_start3A_55 = arith.constant 0 : i32
      %dma_start3A_56 = tpu.memref_slice %arg8[%dma_start3A_51, %dma_start3A_55] : memref<32x128xi32, #tpu.memory_space<vmem>> -> memref<1x128xi32, #tpu.memory_space<vmem>>
      %dma_start3A_57 = tpu.memref_squeeze %dma_start3A_56 : memref<1x128xi32, #tpu.memory_space<vmem>> -> memref<128xi32, #tpu.memory_space<vmem>>
      %dma_start3A_58 = arith.constant 0 : i32
      %dma_start3A_59 = arith.constant 0 : i32
      %dma_start3A_60 = tpu.memref_slice %arg2[%dma_start3A_58, %dma_start3A_59] : memref<40000x128xf32, #tpu.memory_space<hbm>> -> memref<40000x128xf32, #tpu.memory_space<hbm>>
      tpu.enqueue_indirect_dma source(%dma_start3A_60 : memref<40000x128xf32, #tpu.memory_space<hbm>>) target(%dma_start3A_54 : memref<128x128xf32, #tpu.memory_space<vmem>>) offsets(%dma_start3A_57 : memref<128xi32, #tpu.memory_space<vmem>>) semaphore(%arg11 : memref<!tpu.dma_semaphore, #tpu.memory_space<semaphore_mem>>)
      %scan3A_61 = arith.constant 0 : i32
      %scan3A_62 = arith.constant 0 : i32
      %scan3A_63 = arith.constant 32 : i32
      %scan3A_64 = arith.addi %scan3A_62, %scan3A_63 : i32
      %scan3A_65 = arith.constant 1 : i32
      scf.for %scan3A_67 = %scan3A_62 to %scan3A_64 step %scan3A_65  : i32 {
        %jit3A = arith.constant 2 : i32
        %eq3A = arith.constant 0 : i32
        %eq3A_68 = arith.cmpi eq, %jit3A, %eq3A : i32
        %jit3A_69 = arith.constant 1 : i32
        %select_n3A = arith.select %eq3A_68, %jit3A_69, %jit3A : i32
        %rem3A = arith.remsi %scan3A_67, %select_n3A : i32
        %ne3A = arith.constant 0 : i32
        %ne3A_70 = arith.cmpi ne, %rem3A, %ne3A : i32
        %lt3A = arith.constant 0 : i32
        %lt3A_71 = arith.cmpi slt, %rem3A, %lt3A : i32
        %lt3A_72 = arith.constant 0 : i32
        %lt3A_73 = arith.cmpi slt, %select_n3A, %lt3A_72 : i32
        %ne3A_74 = arith.xori %lt3A_71, %lt3A_73 : i1
        %and3A = arith.andi %ne3A_74, %ne3A_70 : i1
        %add3A = arith.addi %rem3A, %select_n3A : i32
        %select_n3A_75 = arith.select %and3A, %add3A, %rem3A : i32
        %mul3A_76 = arith.constant 128 : i32
        %mul3A_77 = arith.muli %select_n3A_75, %mul3A_76 : i32
        %dma_wait3A = arith.constant 0 : i32
        %dma_wait3A_78 = tpu.memref_slice %arg10[%mul3A_77, %dma_wait3A] : memref<256x128xf32, #tpu.memory_space<vmem>> -> memref<128x128xf32, #tpu.memory_space<vmem>>
        %dma_wait3A_79 = arith.constant 0 : i32
        %dma_wait3A_80 = tpu.memref_slice %arg8[%scan3A_67, %dma_wait3A_79] : memref<32x128xi32, #tpu.memory_space<vmem>> -> memref<1x128xi32, #tpu.memory_space<vmem>>
        %dma_wait3A_81 = tpu.memref_squeeze %dma_wait3A_80 : memref<1x128xi32, #tpu.memory_space<vmem>> -> memref<128xi32, #tpu.memory_space<vmem>>
        %dma_wait3A_82 = arith.constant 0 : i32
        %dma_wait3A_83 = arith.constant 0 : i32
        %dma_wait3A_84 = tpu.memref_slice %arg2[%dma_wait3A_82, %dma_wait3A_83] : memref<40000x128xf32, #tpu.memory_space<hbm>> -> memref<40000x128xf32, #tpu.memory_space<hbm>>
        tpu.wait_indirect_dma semaphore(%arg11 : memref<!tpu.dma_semaphore, #tpu.memory_space<semaphore_mem>>) src(%dma_wait3A_84 : memref<40000x128xf32, #tpu.memory_space<hbm>>) dst(%dma_wait3A_78 : memref<128x128xf32, #tpu.memory_space<vmem>>)
        "tpu.region"() ({
          %run_scoped3A_90 = tpu.sem_alloc : memref<!tpu.dma_semaphore, #tpu.memory_space<semaphore_mem>>
          %dma_start3A_91 = arith.constant 0 : i32
          %dma_start3A_92 = tpu.memref_slice %arg10[%mul3A_77, %dma_start3A_91] : memref<256x128xf32, #tpu.memory_space<vmem>> -> memref<128x128xf32, #tpu.memory_space<vmem>>
          %dma_start3A_93 = arith.constant 0 : i32
          %dma_start3A_94 = tpu.memref_slice %arg9[%scan3A_67, %dma_start3A_93] : memref<32x128xi32, #tpu.memory_space<vmem>> -> memref<1x128xi32, #tpu.memory_space<vmem>>
          %dma_start3A_95 = tpu.memref_squeeze %dma_start3A_94 : memref<1x128xi32, #tpu.memory_space<vmem>> -> memref<128xi32, #tpu.memory_space<vmem>>
          %dma_start3A_96 = arith.constant 0 : i32
          %dma_start3A_97 = arith.constant 0 : i32
          %dma_start3A_98 = tpu.memref_slice %arg7[%dma_start3A_96, %dma_start3A_97] : memref<10240x128xf32, #tpu.memory_space<vmem_shared>> -> memref<10240x128xf32, #tpu.memory_space<vmem_shared>>
          tpu.enqueue_indirect_dma source(%dma_start3A_92 : memref<128x128xf32, #tpu.memory_space<vmem>>) target(%dma_start3A_98 : memref<10240x128xf32, #tpu.memory_space<vmem_shared>>) offsets(%dma_start3A_95 : memref<128xi32, #tpu.memory_space<vmem>>) semaphore(%run_scoped3A_90 : memref<!tpu.dma_semaphore, #tpu.memory_space<semaphore_mem>>) {add = true}
          %dma_wait3A_99 = arith.constant 0 : i32
          %dma_wait3A_100 = tpu.memref_slice %arg10[%mul3A_77, %dma_wait3A_99] : memref<256x128xf32, #tpu.memory_space<vmem>> -> memref<128x128xf32, #tpu.memory_space<vmem>>
          %dma_wait3A_101 = arith.constant 0 : i32
          %dma_wait3A_102 = tpu.memref_slice %arg9[%scan3A_67, %dma_wait3A_101] : memref<32x128xi32, #tpu.memory_space<vmem>> -> memref<1x128xi32, #tpu.memory_space<vmem>>
          %dma_wait3A_103 = tpu.memref_squeeze %dma_wait3A_102 : memref<1x128xi32, #tpu.memory_space<vmem>> -> memref<128xi32, #tpu.memory_space<vmem>>
          %dma_wait3A_104 = arith.constant 0 : i32
          %dma_wait3A_105 = arith.constant 0 : i32
          %dma_wait3A_106 = tpu.memref_slice %arg7[%dma_wait3A_104, %dma_wait3A_105] : memref<10240x128xf32, #tpu.memory_space<vmem_shared>> -> memref<10240x128xf32, #tpu.memory_space<vmem_shared>>
          tpu.wait_indirect_dma semaphore(%run_scoped3A_90 : memref<!tpu.dma_semaphore, #tpu.memory_space<semaphore_mem>>) src(%dma_wait3A_100 : memref<128x128xf32, #tpu.memory_space<vmem>>) dst(%dma_wait3A_106 : memref<10240x128xf32, #tpu.memory_space<vmem_shared>>)
          tpu.yield
        }) : () -> ()
        %add3A_85 = arith.constant 2 : i32
        %add3A_86 = arith.addi %scan3A_67, %add3A_85 : i32
        %lt3A_87 = arith.constant 32 : i32
        %lt3A_88 = arith.cmpi slt, %add3A_86, %lt3A_87 : i32
        %convert_element_type3A = arith.extui %lt3A_88 : i1 to i32
        %cond3A = arith.constant 0 : i32
        %cond3A_89 = arith.cmpi ne, %convert_element_type3A, %cond3A : i32
        scf.if %cond3A_89 {
          %add3A_90 = arith.constant 2 : i32
          %add3A_91 = arith.addi %scan3A_67, %add3A_90 : i32
          %dma_start3A_92 = arith.constant 0 : i32
          %dma_start3A_93 = tpu.memref_slice %arg10[%mul3A_77, %dma_start3A_92] : memref<256x128xf32, #tpu.memory_space<vmem>> -> memref<128x128xf32, #tpu.memory_space<vmem>>
          %dma_start3A_94 = arith.constant 0 : i32
          %dma_start3A_95 = tpu.memref_slice %arg8[%add3A_91, %dma_start3A_94] : memref<32x128xi32, #tpu.memory_space<vmem>> -> memref<1x128xi32, #tpu.memory_space<vmem>>
          %dma_start3A_96 = tpu.memref_squeeze %dma_start3A_95 : memref<1x128xi32, #tpu.memory_space<vmem>> -> memref<128xi32, #tpu.memory_space<vmem>>
          %dma_start3A_97 = arith.constant 0 : i32
          %dma_start3A_98 = arith.constant 0 : i32
          %dma_start3A_99 = tpu.memref_slice %arg2[%dma_start3A_97, %dma_start3A_98] : memref<40000x128xf32, #tpu.memory_space<hbm>> -> memref<40000x128xf32, #tpu.memory_space<hbm>>
          tpu.enqueue_indirect_dma source(%dma_start3A_99 : memref<40000x128xf32, #tpu.memory_space<hbm>>) target(%dma_start3A_93 : memref<128x128xf32, #tpu.memory_space<vmem>>) offsets(%dma_start3A_96 : memref<128xi32, #tpu.memory_space<vmem>>) semaphore(%arg11 : memref<!tpu.dma_semaphore, #tpu.memory_space<semaphore_mem>>)
        } else {
        }
      }
      %scan3A_66 = arith.constant 32 : i32
    }
    %scan3A_5 = arith.constant 5 : i32
    %barrier3A_6 = arith.constant 0 : index
    tpu.barrier barrier_id(%barrier3A_6)
    %run_scoped3A = arith.constant 0 : i32
    "tpu.region"() ({
      %run_scoped3A_38 = tpu.sem_alloc : memref<!tpu.dma_semaphore, #tpu.memory_space<semaphore_mem>>
      %dma_start3A = arith.constant 0 : i32
      %dma_start3A_39 = tpu.memref_slice %arg6[%arg0, %run_scoped3A, %mul3A_0, %dma_start3A] : memref<2x4x10240x128xf32, #tpu.memory_space<hbm>> -> memref<1x1x640x128xf32, #tpu.memory_space<hbm>>
      %dma_start3A_40 = tpu.memref_squeeze %dma_start3A_39 : memref<1x1x640x128xf32, #tpu.memory_space<hbm>> -> memref<640x128xf32, #tpu.memory_space<hbm>>
      %dma_start3A_41 = arith.constant 0 : i32
      %dma_start3A_42 = tpu.memref_slice %arg7[%mul3A_0, %dma_start3A_41] : memref<10240x128xf32, #tpu.memory_space<vmem_shared>> -> memref<640x128xf32, #tpu.memory_space<vmem_shared>>
      tpu.enqueue_dma source(%dma_start3A_42 : memref<640x128xf32, #tpu.memory_space<vmem_shared>>) target(%dma_start3A_40 : memref<640x128xf32, #tpu.memory_space<hbm>>) target_semaphore(%run_scoped3A_38 : memref<!tpu.dma_semaphore, #tpu.memory_space<semaphore_mem>>)
      %dma_wait3A = arith.constant 0 : i32
      %dma_wait3A_43 = tpu.memref_slice %arg6[%arg0, %run_scoped3A, %mul3A_0, %dma_wait3A] : memref<2x4x10240x128xf32, #tpu.memory_space<hbm>> -> memref<1x1x640x128xf32, #tpu.memory_space<hbm>>
      %dma_wait3A_44 = tpu.memref_squeeze %dma_wait3A_43 : memref<1x1x640x128xf32, #tpu.memory_space<hbm>> -> memref<640x128xf32, #tpu.memory_space<hbm>>
      %dma_wait3A_45 = arith.constant 0 : i32
      %dma_wait3A_46 = tpu.memref_slice %arg7[%mul3A_0, %dma_wait3A_45] : memref<10240x128xf32, #tpu.memory_space<vmem_shared>> -> memref<640x128xf32, #tpu.memory_space<vmem_shared>>
      tpu.wait_dma2 semaphore(%run_scoped3A_38 : memref<!tpu.dma_semaphore, #tpu.memory_space<semaphore_mem>>) src(%dma_wait3A_46 : memref<640x128xf32, #tpu.memory_space<vmem_shared>>) dst(%dma_wait3A_44 : memref<640x128xf32, #tpu.memory_space<hbm>>)
      tpu.yield
    }) : () -> ()
    %barrier3A_7 = arith.constant 0 : index
    tpu.barrier barrier_id(%barrier3A_7)
    "tpu.region"() ({
      %run_scoped3A_38 = tpu.sem_alloc : memref<!tpu.dma_semaphore, #tpu.memory_space<semaphore_mem>>
      %dma_start3A = arith.constant 0 : i32
      %dma_start3A_39 = tpu.memref_slice %arg7[%mul3A_0, %dma_start3A] : memref<10240x128xf32, #tpu.memory_space<vmem_shared>> -> memref<640x128xf32, #tpu.memory_space<vmem_shared>>
      %dma_start3A_40 = arith.constant 0 : i32
      %dma_start3A_41 = tpu.memref_slice %arg5[%mul3A_0, %dma_start3A_40] : memref<10240x128xf32, #tpu.memory_space<hbm>> -> memref<640x128xf32, #tpu.memory_space<hbm>>
      tpu.enqueue_dma source(%dma_start3A_41 : memref<640x128xf32, #tpu.memory_space<hbm>>) target(%dma_start3A_39 : memref<640x128xf32, #tpu.memory_space<vmem_shared>>) target_semaphore(%run_scoped3A_38 : memref<!tpu.dma_semaphore, #tpu.memory_space<semaphore_mem>>)
      %dma_wait3A = arith.constant 0 : i32
      %dma_wait3A_42 = tpu.memref_slice %arg7[%mul3A_0, %dma_wait3A] : memref<10240x128xf32, #tpu.memory_space<vmem_shared>> -> memref<640x128xf32, #tpu.memory_space<vmem_shared>>
      %dma_wait3A_43 = arith.constant 0 : i32
      %dma_wait3A_44 = tpu.memref_slice %arg5[%mul3A_0, %dma_wait3A_43] : memref<10240x128xf32, #tpu.memory_space<hbm>> -> memref<640x128xf32, #tpu.memory_space<hbm>>
      tpu.wait_dma2 semaphore(%run_scoped3A_38 : memref<!tpu.dma_semaphore, #tpu.memory_space<semaphore_mem>>) src(%dma_wait3A_44 : memref<640x128xf32, #tpu.memory_space<hbm>>) dst(%dma_wait3A_42 : memref<640x128xf32, #tpu.memory_space<vmem_shared>>)
      tpu.yield
    }) : () -> ()
    %barrier3A_8 = arith.constant 0 : index
    tpu.barrier barrier_id(%barrier3A_8)
    %scan3A_9 = arith.constant 0 : i32
    %scan3A_10 = arith.constant 0 : i32
    %scan3A_11 = arith.constant 5 : i32
    %scan3A_12 = arith.addi %scan3A_10, %scan3A_11 : i32
    %scan3A_13 = arith.constant 1 : i32
    scf.for %scan3A_38 = %scan3A_10 to %scan3A_12 step %scan3A_13  : i32 {
      %mul3A_39 = arith.constant 32 : i32
      %mul3A_40 = arith.muli %scan3A_38, %mul3A_39 : i32
      %run_scoped3A_41 = arith.constant 1 : i32
      "tpu.region"() ({
        %run_scoped3A_67 = tpu.sem_alloc : memref<!tpu.dma_semaphore, #tpu.memory_space<semaphore_mem>>
        %dma_start3A_68 = arith.constant 0 : i32
        %dma_start3A_69 = tpu.memref_slice %arg3[%arg0, %run_scoped3A_41, %arg1, %mul3A_40, %dma_start3A_68] : memref<2x4x16x160x128xi32, #tpu.memory_space<hbm>> -> memref<1x1x1x32x128xi32, #tpu.memory_space<hbm>>
        %dma_start3A_70 = tpu.memref_squeeze %dma_start3A_69 : memref<1x1x1x32x128xi32, #tpu.memory_space<hbm>> -> memref<32x128xi32, #tpu.memory_space<hbm>>
        %dma_start3A_71 = arith.constant 0 : i32
        %dma_start3A_72 = tpu.memref_slice %arg3[%arg0, %run_scoped3A_41, %arg1, %mul3A_40, %dma_start3A_71] : memref<2x4x16x160x128xi32, #tpu.memory_space<hbm>> -> memref<1x1x1x32x128xi32, #tpu.memory_space<hbm>>
        %dma_start3A_73 = tpu.memref_squeeze %dma_start3A_72 : memref<1x1x1x32x128xi32, #tpu.memory_space<hbm>> -> memref<32x128xi32, #tpu.memory_space<hbm>>
        tpu.enqueue_dma source(%dma_start3A_73 : memref<32x128xi32, #tpu.memory_space<hbm>>) target(%arg8 : memref<32x128xi32, #tpu.memory_space<vmem>>) target_semaphore(%run_scoped3A_67 : memref<!tpu.dma_semaphore, #tpu.memory_space<semaphore_mem>>)
        %dma_wait3A = arith.constant 0 : i32
        %dma_wait3A_74 = tpu.memref_slice %arg3[%arg0, %run_scoped3A_41, %arg1, %mul3A_40, %dma_wait3A] : memref<2x4x16x160x128xi32, #tpu.memory_space<hbm>> -> memref<1x1x1x32x128xi32, #tpu.memory_space<hbm>>
        %dma_wait3A_75 = tpu.memref_squeeze %dma_wait3A_74 : memref<1x1x1x32x128xi32, #tpu.memory_space<hbm>> -> memref<32x128xi32, #tpu.memory_space<hbm>>
        %dma_wait3A_76 = arith.constant 0 : i32
        %dma_wait3A_77 = tpu.memref_slice %arg3[%arg0, %run_scoped3A_41, %arg1, %mul3A_40, %dma_wait3A_76] : memref<2x4x16x160x128xi32, #tpu.memory_space<hbm>> -> memref<1x1x1x32x128xi32, #tpu.memory_space<hbm>>
        %dma_wait3A_78 = tpu.memref_squeeze %dma_wait3A_77 : memref<1x1x1x32x128xi32, #tpu.memory_space<hbm>> -> memref<32x128xi32, #tpu.memory_space<hbm>>
        tpu.wait_dma2 semaphore(%run_scoped3A_67 : memref<!tpu.dma_semaphore, #tpu.memory_space<semaphore_mem>>) src(%dma_wait3A_78 : memref<32x128xi32, #tpu.memory_space<hbm>>) dst(%arg8 : memref<32x128xi32, #tpu.memory_space<vmem>>)
        tpu.yield
      }) : () -> ()
      "tpu.region"() ({
        %run_scoped3A_67 = tpu.sem_alloc : memref<!tpu.dma_semaphore, #tpu.memory_space<semaphore_mem>>
        %dma_start3A_68 = arith.constant 0 : i32
        %dma_start3A_69 = tpu.memref_slice %arg4[%arg0, %arg1, %mul3A_40, %dma_start3A_68] : memref<2x16x160x128xi32, #tpu.memory_space<hbm>> -> memref<1x1x32x128xi32, #tpu.memory_space<hbm>>
        %dma_start3A_70 = tpu.memref_squeeze %dma_start3A_69 : memref<1x1x32x128xi32, #tpu.memory_space<hbm>> -> memref<32x128xi32, #tpu.memory_space<hbm>>
        %dma_start3A_71 = arith.constant 0 : i32
        %dma_start3A_72 = tpu.memref_slice %arg4[%arg0, %arg1, %mul3A_40, %dma_start3A_71] : memref<2x16x160x128xi32, #tpu.memory_space<hbm>> -> memref<1x1x32x128xi32, #tpu.memory_space<hbm>>
        %dma_start3A_73 = tpu.memref_squeeze %dma_start3A_72 : memref<1x1x32x128xi32, #tpu.memory_space<hbm>> -> memref<32x128xi32, #tpu.memory_space<hbm>>
        tpu.enqueue_dma source(%dma_start3A_73 : memref<32x128xi32, #tpu.memory_space<hbm>>) target(%arg9 : memref<32x128xi32, #tpu.memory_space<vmem>>) target_semaphore(%run_scoped3A_67 : memref<!tpu.dma_semaphore, #tpu.memory_space<semaphore_mem>>)
        %dma_wait3A = arith.constant 0 : i32
        %dma_wait3A_74 = tpu.memref_slice %arg4[%arg0, %arg1, %mul3A_40, %dma_wait3A] : memref<2x16x160x128xi32, #tpu.memory_space<hbm>> -> memref<1x1x32x128xi32, #tpu.memory_space<hbm>>
        %dma_wait3A_75 = tpu.memref_squeeze %dma_wait3A_74 : memref<1x1x32x128xi32, #tpu.memory_space<hbm>> -> memref<32x128xi32, #tpu.memory_space<hbm>>
        %dma_wait3A_76 = arith.constant 0 : i32
        %dma_wait3A_77 = tpu.memref_slice %arg4[%arg0, %arg1, %mul3A_40, %dma_wait3A_76] : memref<2x16x160x128xi32, #tpu.memory_space<hbm>> -> memref<1x1x32x128xi32, #tpu.memory_space<hbm>>
        %dma_wait3A_78 = tpu.memref_squeeze %dma_wait3A_77 : memref<1x1x32x128xi32, #tpu.memory_space<hbm>> -> memref<32x128xi32, #tpu.memory_space<hbm>>
        tpu.wait_dma2 semaphore(%run_scoped3A_67 : memref<!tpu.dma_semaphore, #tpu.memory_space<semaphore_mem>>) src(%dma_wait3A_78 : memref<32x128xi32, #tpu.memory_space<hbm>>) dst(%arg9 : memref<32x128xi32, #tpu.memory_space<vmem>>)
        tpu.yield
      }) : () -> ()
      %dma_start3A = arith.constant 0 : i32
      %dma_start3A_42 = arith.constant 0 : i32
      %dma_start3A_43 = arith.constant 0 : i32
      %dma_start3A_44 = tpu.memref_slice %arg10[%dma_start3A_42, %dma_start3A_43] : memref<256x128xf32, #tpu.memory_space<vmem>> -> memref<128x128xf32, #tpu.memory_space<vmem>>
      %dma_start3A_45 = arith.constant 0 : i32
      %dma_start3A_46 = tpu.memref_slice %arg8[%dma_start3A, %dma_start3A_45] : memref<32x128xi32, #tpu.memory_space<vmem>> -> memref<1x128xi32, #tpu.memory_space<vmem>>
      %dma_start3A_47 = tpu.memref_squeeze %dma_start3A_46 : memref<1x128xi32, #tpu.memory_space<vmem>> -> memref<128xi32, #tpu.memory_space<vmem>>
      %dma_start3A_48 = arith.constant 0 : i32
      %dma_start3A_49 = arith.constant 0 : i32
      %dma_start3A_50 = tpu.memref_slice %arg2[%dma_start3A_48, %dma_start3A_49] : memref<40000x128xf32, #tpu.memory_space<hbm>> -> memref<40000x128xf32, #tpu.memory_space<hbm>>
      tpu.enqueue_indirect_dma source(%dma_start3A_50 : memref<40000x128xf32, #tpu.memory_space<hbm>>) target(%dma_start3A_44 : memref<128x128xf32, #tpu.memory_space<vmem>>) offsets(%dma_start3A_47 : memref<128xi32, #tpu.memory_space<vmem>>) semaphore(%arg11 : memref<!tpu.dma_semaphore, #tpu.memory_space<semaphore_mem>>)
      %dma_start3A_51 = arith.constant 1 : i32
      %dma_start3A_52 = arith.constant 128 : i32
      %dma_start3A_53 = arith.constant 0 : i32
      %dma_start3A_54 = tpu.memref_slice %arg10[%dma_start3A_52, %dma_start3A_53] : memref<256x128xf32, #tpu.memory_space<vmem>> -> memref<128x128xf32, #tpu.memory_space<vmem>>
      %dma_start3A_55 = arith.constant 0 : i32
      %dma_start3A_56 = tpu.memref_slice %arg8[%dma_start3A_51, %dma_start3A_55] : memref<32x128xi32, #tpu.memory_space<vmem>> -> memref<1x128xi32, #tpu.memory_space<vmem>>
      %dma_start3A_57 = tpu.memref_squeeze %dma_start3A_56 : memref<1x128xi32, #tpu.memory_space<vmem>> -> memref<128xi32, #tpu.memory_space<vmem>>
      %dma_start3A_58 = arith.constant 0 : i32
      %dma_start3A_59 = arith.constant 0 : i32
      %dma_start3A_60 = tpu.memref_slice %arg2[%dma_start3A_58, %dma_start3A_59] : memref<40000x128xf32, #tpu.memory_space<hbm>> -> memref<40000x128xf32, #tpu.memory_space<hbm>>
      tpu.enqueue_indirect_dma source(%dma_start3A_60 : memref<40000x128xf32, #tpu.memory_space<hbm>>) target(%dma_start3A_54 : memref<128x128xf32, #tpu.memory_space<vmem>>) offsets(%dma_start3A_57 : memref<128xi32, #tpu.memory_space<vmem>>) semaphore(%arg11 : memref<!tpu.dma_semaphore, #tpu.memory_space<semaphore_mem>>)
      %scan3A_61 = arith.constant 0 : i32
      %scan3A_62 = arith.constant 0 : i32
      %scan3A_63 = arith.constant 32 : i32
      %scan3A_64 = arith.addi %scan3A_62, %scan3A_63 : i32
      %scan3A_65 = arith.constant 1 : i32
      scf.for %scan3A_67 = %scan3A_62 to %scan3A_64 step %scan3A_65  : i32 {
        %jit3A = arith.constant 2 : i32
        %eq3A = arith.constant 0 : i32
        %eq3A_68 = arith.cmpi eq, %jit3A, %eq3A : i32
        %jit3A_69 = arith.constant 1 : i32
        %select_n3A = arith.select %eq3A_68, %jit3A_69, %jit3A : i32
        %rem3A = arith.remsi %scan3A_67, %select_n3A : i32
        %ne3A = arith.constant 0 : i32
        %ne3A_70 = arith.cmpi ne, %rem3A, %ne3A : i32
        %lt3A = arith.constant 0 : i32
        %lt3A_71 = arith.cmpi slt, %rem3A, %lt3A : i32
        %lt3A_72 = arith.constant 0 : i32
        %lt3A_73 = arith.cmpi slt, %select_n3A, %lt3A_72 : i32
        %ne3A_74 = arith.xori %lt3A_71, %lt3A_73 : i1
        %and3A = arith.andi %ne3A_74, %ne3A_70 : i1
        %add3A = arith.addi %rem3A, %select_n3A : i32
        %select_n3A_75 = arith.select %and3A, %add3A, %rem3A : i32
        %mul3A_76 = arith.constant 128 : i32
        %mul3A_77 = arith.muli %select_n3A_75, %mul3A_76 : i32
        %dma_wait3A = arith.constant 0 : i32
        %dma_wait3A_78 = tpu.memref_slice %arg10[%mul3A_77, %dma_wait3A] : memref<256x128xf32, #tpu.memory_space<vmem>> -> memref<128x128xf32, #tpu.memory_space<vmem>>
        %dma_wait3A_79 = arith.constant 0 : i32
        %dma_wait3A_80 = tpu.memref_slice %arg8[%scan3A_67, %dma_wait3A_79] : memref<32x128xi32, #tpu.memory_space<vmem>> -> memref<1x128xi32, #tpu.memory_space<vmem>>
        %dma_wait3A_81 = tpu.memref_squeeze %dma_wait3A_80 : memref<1x128xi32, #tpu.memory_space<vmem>> -> memref<128xi32, #tpu.memory_space<vmem>>
        %dma_wait3A_82 = arith.constant 0 : i32
        %dma_wait3A_83 = arith.constant 0 : i32
        %dma_wait3A_84 = tpu.memref_slice %arg2[%dma_wait3A_82, %dma_wait3A_83] : memref<40000x128xf32, #tpu.memory_space<hbm>> -> memref<40000x128xf32, #tpu.memory_space<hbm>>
        tpu.wait_indirect_dma semaphore(%arg11 : memref<!tpu.dma_semaphore, #tpu.memory_space<semaphore_mem>>) src(%dma_wait3A_84 : memref<40000x128xf32, #tpu.memory_space<hbm>>) dst(%dma_wait3A_78 : memref<128x128xf32, #tpu.memory_space<vmem>>)
        "tpu.region"() ({
          %run_scoped3A_90 = tpu.sem_alloc : memref<!tpu.dma_semaphore, #tpu.memory_space<semaphore_mem>>
          %dma_start3A_91 = arith.constant 0 : i32
          %dma_start3A_92 = tpu.memref_slice %arg10[%mul3A_77, %dma_start3A_91] : memref<256x128xf32, #tpu.memory_space<vmem>> -> memref<128x128xf32, #tpu.memory_space<vmem>>
          %dma_start3A_93 = arith.constant 0 : i32
          %dma_start3A_94 = tpu.memref_slice %arg9[%scan3A_67, %dma_start3A_93] : memref<32x128xi32, #tpu.memory_space<vmem>> -> memref<1x128xi32, #tpu.memory_space<vmem>>
          %dma_start3A_95 = tpu.memref_squeeze %dma_start3A_94 : memref<1x128xi32, #tpu.memory_space<vmem>> -> memref<128xi32, #tpu.memory_space<vmem>>
          %dma_start3A_96 = arith.constant 0 : i32
          %dma_start3A_97 = arith.constant 0 : i32
          %dma_start3A_98 = tpu.memref_slice %arg7[%dma_start3A_96, %dma_start3A_97] : memref<10240x128xf32, #tpu.memory_space<vmem_shared>> -> memref<10240x128xf32, #tpu.memory_space<vmem_shared>>
          tpu.enqueue_indirect_dma source(%dma_start3A_92 : memref<128x128xf32, #tpu.memory_space<vmem>>) target(%dma_start3A_98 : memref<10240x128xf32, #tpu.memory_space<vmem_shared>>) offsets(%dma_start3A_95 : memref<128xi32, #tpu.memory_space<vmem>>) semaphore(%run_scoped3A_90 : memref<!tpu.dma_semaphore, #tpu.memory_space<semaphore_mem>>) {add = true}
          %dma_wait3A_99 = arith.constant 0 : i32
          %dma_wait3A_100 = tpu.memref_slice %arg10[%mul3A_77, %dma_wait3A_99] : memref<256x128xf32, #tpu.memory_space<vmem>> -> memref<128x128xf32, #tpu.memory_space<vmem>>
          %dma_wait3A_101 = arith.constant 0 : i32
          %dma_wait3A_102 = tpu.memref_slice %arg9[%scan3A_67, %dma_wait3A_101] : memref<32x128xi32, #tpu.memory_space<vmem>> -> memref<1x128xi32, #tpu.memory_space<vmem>>
          %dma_wait3A_103 = tpu.memref_squeeze %dma_wait3A_102 : memref<1x128xi32, #tpu.memory_space<vmem>> -> memref<128xi32, #tpu.memory_space<vmem>>
          %dma_wait3A_104 = arith.constant 0 : i32
          %dma_wait3A_105 = arith.constant 0 : i32
          %dma_wait3A_106 = tpu.memref_slice %arg7[%dma_wait3A_104, %dma_wait3A_105] : memref<10240x128xf32, #tpu.memory_space<vmem_shared>> -> memref<10240x128xf32, #tpu.memory_space<vmem_shared>>
          tpu.wait_indirect_dma semaphore(%run_scoped3A_90 : memref<!tpu.dma_semaphore, #tpu.memory_space<semaphore_mem>>) src(%dma_wait3A_100 : memref<128x128xf32, #tpu.memory_space<vmem>>) dst(%dma_wait3A_106 : memref<10240x128xf32, #tpu.memory_space<vmem_shared>>)
          tpu.yield
        }) : () -> ()
        %add3A_85 = arith.constant 2 : i32
        %add3A_86 = arith.addi %scan3A_67, %add3A_85 : i32
        %lt3A_87 = arith.constant 32 : i32
        %lt3A_88 = arith.cmpi slt, %add3A_86, %lt3A_87 : i32
        %convert_element_type3A = arith.extui %lt3A_88 : i1 to i32
        %cond3A = arith.constant 0 : i32
        %cond3A_89 = arith.cmpi ne, %convert_element_type3A, %cond3A : i32
        scf.if %cond3A_89 {
          %add3A_90 = arith.constant 2 : i32
          %add3A_91 = arith.addi %scan3A_67, %add3A_90 : i32
          %dma_start3A_92 = arith.constant 0 : i32
          %dma_start3A_93 = tpu.memref_slice %arg10[%mul3A_77, %dma_start3A_92] : memref<256x128xf32, #tpu.memory_space<vmem>> -> memref<128x128xf32, #tpu.memory_space<vmem>>
          %dma_start3A_94 = arith.constant 0 : i32
          %dma_start3A_95 = tpu.memref_slice %arg8[%add3A_91, %dma_start3A_94] : memref<32x128xi32, #tpu.memory_space<vmem>> -> memref<1x128xi32, #tpu.memory_space<vmem>>
          %dma_start3A_96 = tpu.memref_squeeze %dma_start3A_95 : memref<1x128xi32, #tpu.memory_space<vmem>> -> memref<128xi32, #tpu.memory_space<vmem>>
          %dma_start3A_97 = arith.constant 0 : i32
          %dma_start3A_98 = arith.constant 0 : i32
          %dma_start3A_99 = tpu.memref_slice %arg2[%dma_start3A_97, %dma_start3A_98] : memref<40000x128xf32, #tpu.memory_space<hbm>> -> memref<40000x128xf32, #tpu.memory_space<hbm>>
          tpu.enqueue_indirect_dma source(%dma_start3A_99 : memref<40000x128xf32, #tpu.memory_space<hbm>>) target(%dma_start3A_93 : memref<128x128xf32, #tpu.memory_space<vmem>>) offsets(%dma_start3A_96 : memref<128xi32, #tpu.memory_space<vmem>>) semaphore(%arg11 : memref<!tpu.dma_semaphore, #tpu.memory_space<semaphore_mem>>)
        } else {
        }
      }
      %scan3A_66 = arith.constant 32 : i32
    }
    %scan3A_14 = arith.constant 5 : i32
    %barrier3A_15 = arith.constant 0 : index
    tpu.barrier barrier_id(%barrier3A_15)
    %run_scoped3A_16 = arith.constant 1 : i32
    "tpu.region"() ({
      %run_scoped3A_38 = tpu.sem_alloc : memref<!tpu.dma_semaphore, #tpu.memory_space<semaphore_mem>>
      %dma_start3A = arith.constant 0 : i32
      %dma_start3A_39 = tpu.memref_slice %arg6[%arg0, %run_scoped3A_16, %mul3A_0, %dma_start3A] : memref<2x4x10240x128xf32, #tpu.memory_space<hbm>> -> memref<1x1x640x128xf32, #tpu.memory_space<hbm>>
      %dma_start3A_40 = tpu.memref_squeeze %dma_start3A_39 : memref<1x1x640x128xf32, #tpu.memory_space<hbm>> -> memref<640x128xf32, #tpu.memory_space<hbm>>
      %dma_start3A_41 = arith.constant 0 : i32
      %dma_start3A_42 = tpu.memref_slice %arg7[%mul3A_0, %dma_start3A_41] : memref<10240x128xf32, #tpu.memory_space<vmem_shared>> -> memref<640x128xf32, #tpu.memory_space<vmem_shared>>
      tpu.enqueue_dma source(%dma_start3A_42 : memref<640x128xf32, #tpu.memory_space<vmem_shared>>) target(%dma_start3A_40 : memref<640x128xf32, #tpu.memory_space<hbm>>) target_semaphore(%run_scoped3A_38 : memref<!tpu.dma_semaphore, #tpu.memory_space<semaphore_mem>>)
      %dma_wait3A = arith.constant 0 : i32
      %dma_wait3A_43 = tpu.memref_slice %arg6[%arg0, %run_scoped3A_16, %mul3A_0, %dma_wait3A] : memref<2x4x10240x128xf32, #tpu.memory_space<hbm>> -> memref<1x1x640x128xf32, #tpu.memory_space<hbm>>
      %dma_wait3A_44 = tpu.memref_squeeze %dma_wait3A_43 : memref<1x1x640x128xf32, #tpu.memory_space<hbm>> -> memref<640x128xf32, #tpu.memory_space<hbm>>
      %dma_wait3A_45 = arith.constant 0 : i32
      %dma_wait3A_46 = tpu.memref_slice %arg7[%mul3A_0, %dma_wait3A_45] : memref<10240x128xf32, #tpu.memory_space<vmem_shared>> -> memref<640x128xf32, #tpu.memory_space<vmem_shared>>
      tpu.wait_dma2 semaphore(%run_scoped3A_38 : memref<!tpu.dma_semaphore, #tpu.memory_space<semaphore_mem>>) src(%dma_wait3A_46 : memref<640x128xf32, #tpu.memory_space<vmem_shared>>) dst(%dma_wait3A_44 : memref<640x128xf32, #tpu.memory_space<hbm>>)
      tpu.yield
    }) : () -> ()
    %barrier3A_17 = arith.constant 0 : index
    tpu.barrier barrier_id(%barrier3A_17)
    "tpu.region"() ({
      %run_scoped3A_38 = tpu.sem_alloc : memref<!tpu.dma_semaphore, #tpu.memory_space<semaphore_mem>>
      %dma_start3A = arith.constant 0 : i32
      %dma_start3A_39 = tpu.memref_slice %arg7[%mul3A_0, %dma_start3A] : memref<10240x128xf32, #tpu.memory_space<vmem_shared>> -> memref<640x128xf32, #tpu.memory_space<vmem_shared>>
      %dma_start3A_40 = arith.constant 0 : i32
      %dma_start3A_41 = tpu.memref_slice %arg5[%mul3A_0, %dma_start3A_40] : memref<10240x128xf32, #tpu.memory_space<hbm>> -> memref<640x128xf32, #tpu.memory_space<hbm>>
      tpu.enqueue_dma source(%dma_start3A_41 : memref<640x128xf32, #tpu.memory_space<hbm>>) target(%dma_start3A_39 : memref<640x128xf32, #tpu.memory_space<vmem_shared>>) target_semaphore(%run_scoped3A_38 : memref<!tpu.dma_semaphore, #tpu.memory_space<semaphore_mem>>)
      %dma_wait3A = arith.constant 0 : i32
      %dma_wait3A_42 = tpu.memref_slice %arg7[%mul3A_0, %dma_wait3A] : memref<10240x128xf32, #tpu.memory_space<vmem_shared>> -> memref<640x128xf32, #tpu.memory_space<vmem_shared>>
      %dma_wait3A_43 = arith.constant 0 : i32
      %dma_wait3A_44 = tpu.memref_slice %arg5[%mul3A_0, %dma_wait3A_43] : memref<10240x128xf32, #tpu.memory_space<hbm>> -> memref<640x128xf32, #tpu.memory_space<hbm>>
      tpu.wait_dma2 semaphore(%run_scoped3A_38 : memref<!tpu.dma_semaphore, #tpu.memory_space<semaphore_mem>>) src(%dma_wait3A_44 : memref<640x128xf32, #tpu.memory_space<hbm>>) dst(%dma_wait3A_42 : memref<640x128xf32, #tpu.memory_space<vmem_shared>>)
      tpu.yield
    }) : () -> ()
    %barrier3A_18 = arith.constant 0 : index
    tpu.barrier barrier_id(%barrier3A_18)
    %scan3A_19 = arith.constant 0 : i32
    %scan3A_20 = arith.constant 0 : i32
    %scan3A_21 = arith.constant 5 : i32
    %scan3A_22 = arith.addi %scan3A_20, %scan3A_21 : i32
    %scan3A_23 = arith.constant 1 : i32
    scf.for %scan3A_38 = %scan3A_20 to %scan3A_22 step %scan3A_23  : i32 {
      %mul3A_39 = arith.constant 32 : i32
      %mul3A_40 = arith.muli %scan3A_38, %mul3A_39 : i32
      %run_scoped3A_41 = arith.constant 2 : i32
      "tpu.region"() ({
        %run_scoped3A_67 = tpu.sem_alloc : memref<!tpu.dma_semaphore, #tpu.memory_space<semaphore_mem>>
        %dma_start3A_68 = arith.constant 0 : i32
        %dma_start3A_69 = tpu.memref_slice %arg3[%arg0, %run_scoped3A_41, %arg1, %mul3A_40, %dma_start3A_68] : memref<2x4x16x160x128xi32, #tpu.memory_space<hbm>> -> memref<1x1x1x32x128xi32, #tpu.memory_space<hbm>>
        %dma_start3A_70 = tpu.memref_squeeze %dma_start3A_69 : memref<1x1x1x32x128xi32, #tpu.memory_space<hbm>> -> memref<32x128xi32, #tpu.memory_space<hbm>>
        %dma_start3A_71 = arith.constant 0 : i32
        %dma_start3A_72 = tpu.memref_slice %arg3[%arg0, %run_scoped3A_41, %arg1, %mul3A_40, %dma_start3A_71] : memref<2x4x16x160x128xi32, #tpu.memory_space<hbm>> -> memref<1x1x1x32x128xi32, #tpu.memory_space<hbm>>
        %dma_start3A_73 = tpu.memref_squeeze %dma_start3A_72 : memref<1x1x1x32x128xi32, #tpu.memory_space<hbm>> -> memref<32x128xi32, #tpu.memory_space<hbm>>
        tpu.enqueue_dma source(%dma_start3A_73 : memref<32x128xi32, #tpu.memory_space<hbm>>) target(%arg8 : memref<32x128xi32, #tpu.memory_space<vmem>>) target_semaphore(%run_scoped3A_67 : memref<!tpu.dma_semaphore, #tpu.memory_space<semaphore_mem>>)
        %dma_wait3A = arith.constant 0 : i32
        %dma_wait3A_74 = tpu.memref_slice %arg3[%arg0, %run_scoped3A_41, %arg1, %mul3A_40, %dma_wait3A] : memref<2x4x16x160x128xi32, #tpu.memory_space<hbm>> -> memref<1x1x1x32x128xi32, #tpu.memory_space<hbm>>
        %dma_wait3A_75 = tpu.memref_squeeze %dma_wait3A_74 : memref<1x1x1x32x128xi32, #tpu.memory_space<hbm>> -> memref<32x128xi32, #tpu.memory_space<hbm>>
        %dma_wait3A_76 = arith.constant 0 : i32
        %dma_wait3A_77 = tpu.memref_slice %arg3[%arg0, %run_scoped3A_41, %arg1, %mul3A_40, %dma_wait3A_76] : memref<2x4x16x160x128xi32, #tpu.memory_space<hbm>> -> memref<1x1x1x32x128xi32, #tpu.memory_space<hbm>>
        %dma_wait3A_78 = tpu.memref_squeeze %dma_wait3A_77 : memref<1x1x1x32x128xi32, #tpu.memory_space<hbm>> -> memref<32x128xi32, #tpu.memory_space<hbm>>
        tpu.wait_dma2 semaphore(%run_scoped3A_67 : memref<!tpu.dma_semaphore, #tpu.memory_space<semaphore_mem>>) src(%dma_wait3A_78 : memref<32x128xi32, #tpu.memory_space<hbm>>) dst(%arg8 : memref<32x128xi32, #tpu.memory_space<vmem>>)
        tpu.yield
      }) : () -> ()
      "tpu.region"() ({
        %run_scoped3A_67 = tpu.sem_alloc : memref<!tpu.dma_semaphore, #tpu.memory_space<semaphore_mem>>
        %dma_start3A_68 = arith.constant 0 : i32
        %dma_start3A_69 = tpu.memref_slice %arg4[%arg0, %arg1, %mul3A_40, %dma_start3A_68] : memref<2x16x160x128xi32, #tpu.memory_space<hbm>> -> memref<1x1x32x128xi32, #tpu.memory_space<hbm>>
        %dma_start3A_70 = tpu.memref_squeeze %dma_start3A_69 : memref<1x1x32x128xi32, #tpu.memory_space<hbm>> -> memref<32x128xi32, #tpu.memory_space<hbm>>
        %dma_start3A_71 = arith.constant 0 : i32
        %dma_start3A_72 = tpu.memref_slice %arg4[%arg0, %arg1, %mul3A_40, %dma_start3A_71] : memref<2x16x160x128xi32, #tpu.memory_space<hbm>> -> memref<1x1x32x128xi32, #tpu.memory_space<hbm>>
        %dma_start3A_73 = tpu.memref_squeeze %dma_start3A_72 : memref<1x1x32x128xi32, #tpu.memory_space<hbm>> -> memref<32x128xi32, #tpu.memory_space<hbm>>
        tpu.enqueue_dma source(%dma_start3A_73 : memref<32x128xi32, #tpu.memory_space<hbm>>) target(%arg9 : memref<32x128xi32, #tpu.memory_space<vmem>>) target_semaphore(%run_scoped3A_67 : memref<!tpu.dma_semaphore, #tpu.memory_space<semaphore_mem>>)
        %dma_wait3A = arith.constant 0 : i32
        %dma_wait3A_74 = tpu.memref_slice %arg4[%arg0, %arg1, %mul3A_40, %dma_wait3A] : memref<2x16x160x128xi32, #tpu.memory_space<hbm>> -> memref<1x1x32x128xi32, #tpu.memory_space<hbm>>
        %dma_wait3A_75 = tpu.memref_squeeze %dma_wait3A_74 : memref<1x1x32x128xi32, #tpu.memory_space<hbm>> -> memref<32x128xi32, #tpu.memory_space<hbm>>
        %dma_wait3A_76 = arith.constant 0 : i32
        %dma_wait3A_77 = tpu.memref_slice %arg4[%arg0, %arg1, %mul3A_40, %dma_wait3A_76] : memref<2x16x160x128xi32, #tpu.memory_space<hbm>> -> memref<1x1x32x128xi32, #tpu.memory_space<hbm>>
        %dma_wait3A_78 = tpu.memref_squeeze %dma_wait3A_77 : memref<1x1x32x128xi32, #tpu.memory_space<hbm>> -> memref<32x128xi32, #tpu.memory_space<hbm>>
        tpu.wait_dma2 semaphore(%run_scoped3A_67 : memref<!tpu.dma_semaphore, #tpu.memory_space<semaphore_mem>>) src(%dma_wait3A_78 : memref<32x128xi32, #tpu.memory_space<hbm>>) dst(%arg9 : memref<32x128xi32, #tpu.memory_space<vmem>>)
        tpu.yield
      }) : () -> ()
      %dma_start3A = arith.constant 0 : i32
      %dma_start3A_42 = arith.constant 0 : i32
      %dma_start3A_43 = arith.constant 0 : i32
      %dma_start3A_44 = tpu.memref_slice %arg10[%dma_start3A_42, %dma_start3A_43] : memref<256x128xf32, #tpu.memory_space<vmem>> -> memref<128x128xf32, #tpu.memory_space<vmem>>
      %dma_start3A_45 = arith.constant 0 : i32
      %dma_start3A_46 = tpu.memref_slice %arg8[%dma_start3A, %dma_start3A_45] : memref<32x128xi32, #tpu.memory_space<vmem>> -> memref<1x128xi32, #tpu.memory_space<vmem>>
      %dma_start3A_47 = tpu.memref_squeeze %dma_start3A_46 : memref<1x128xi32, #tpu.memory_space<vmem>> -> memref<128xi32, #tpu.memory_space<vmem>>
      %dma_start3A_48 = arith.constant 0 : i32
      %dma_start3A_49 = arith.constant 0 : i32
      %dma_start3A_50 = tpu.memref_slice %arg2[%dma_start3A_48, %dma_start3A_49] : memref<40000x128xf32, #tpu.memory_space<hbm>> -> memref<40000x128xf32, #tpu.memory_space<hbm>>
      tpu.enqueue_indirect_dma source(%dma_start3A_50 : memref<40000x128xf32, #tpu.memory_space<hbm>>) target(%dma_start3A_44 : memref<128x128xf32, #tpu.memory_space<vmem>>) offsets(%dma_start3A_47 : memref<128xi32, #tpu.memory_space<vmem>>) semaphore(%arg11 : memref<!tpu.dma_semaphore, #tpu.memory_space<semaphore_mem>>)
      %dma_start3A_51 = arith.constant 1 : i32
      %dma_start3A_52 = arith.constant 128 : i32
      %dma_start3A_53 = arith.constant 0 : i32
      %dma_start3A_54 = tpu.memref_slice %arg10[%dma_start3A_52, %dma_start3A_53] : memref<256x128xf32, #tpu.memory_space<vmem>> -> memref<128x128xf32, #tpu.memory_space<vmem>>
      %dma_start3A_55 = arith.constant 0 : i32
      %dma_start3A_56 = tpu.memref_slice %arg8[%dma_start3A_51, %dma_start3A_55] : memref<32x128xi32, #tpu.memory_space<vmem>> -> memref<1x128xi32, #tpu.memory_space<vmem>>
      %dma_start3A_57 = tpu.memref_squeeze %dma_start3A_56 : memref<1x128xi32, #tpu.memory_space<vmem>> -> memref<128xi32, #tpu.memory_space<vmem>>
      %dma_start3A_58 = arith.constant 0 : i32
      %dma_start3A_59 = arith.constant 0 : i32
      %dma_start3A_60 = tpu.memref_slice %arg2[%dma_start3A_58, %dma_start3A_59] : memref<40000x128xf32, #tpu.memory_space<hbm>> -> memref<40000x128xf32, #tpu.memory_space<hbm>>
      tpu.enqueue_indirect_dma source(%dma_start3A_60 : memref<40000x128xf32, #tpu.memory_space<hbm>>) target(%dma_start3A_54 : memref<128x128xf32, #tpu.memory_space<vmem>>) offsets(%dma_start3A_57 : memref<128xi32, #tpu.memory_space<vmem>>) semaphore(%arg11 : memref<!tpu.dma_semaphore, #tpu.memory_space<semaphore_mem>>)
      %scan3A_61 = arith.constant 0 : i32
      %scan3A_62 = arith.constant 0 : i32
      %scan3A_63 = arith.constant 32 : i32
      %scan3A_64 = arith.addi %scan3A_62, %scan3A_63 : i32
      %scan3A_65 = arith.constant 1 : i32
      scf.for %scan3A_67 = %scan3A_62 to %scan3A_64 step %scan3A_65  : i32 {
        %jit3A = arith.constant 2 : i32
        %eq3A = arith.constant 0 : i32
        %eq3A_68 = arith.cmpi eq, %jit3A, %eq3A : i32
        %jit3A_69 = arith.constant 1 : i32
        %select_n3A = arith.select %eq3A_68, %jit3A_69, %jit3A : i32
        %rem3A = arith.remsi %scan3A_67, %select_n3A : i32
        %ne3A = arith.constant 0 : i32
        %ne3A_70 = arith.cmpi ne, %rem3A, %ne3A : i32
        %lt3A = arith.constant 0 : i32
        %lt3A_71 = arith.cmpi slt, %rem3A, %lt3A : i32
        %lt3A_72 = arith.constant 0 : i32
        %lt3A_73 = arith.cmpi slt, %select_n3A, %lt3A_72 : i32
        %ne3A_74 = arith.xori %lt3A_71, %lt3A_73 : i1
        %and3A = arith.andi %ne3A_74, %ne3A_70 : i1
        %add3A = arith.addi %rem3A, %select_n3A : i32
        %select_n3A_75 = arith.select %and3A, %add3A, %rem3A : i32
        %mul3A_76 = arith.constant 128 : i32
        %mul3A_77 = arith.muli %select_n3A_75, %mul3A_76 : i32
        %dma_wait3A = arith.constant 0 : i32
        %dma_wait3A_78 = tpu.memref_slice %arg10[%mul3A_77, %dma_wait3A] : memref<256x128xf32, #tpu.memory_space<vmem>> -> memref<128x128xf32, #tpu.memory_space<vmem>>
        %dma_wait3A_79 = arith.constant 0 : i32
        %dma_wait3A_80 = tpu.memref_slice %arg8[%scan3A_67, %dma_wait3A_79] : memref<32x128xi32, #tpu.memory_space<vmem>> -> memref<1x128xi32, #tpu.memory_space<vmem>>
        %dma_wait3A_81 = tpu.memref_squeeze %dma_wait3A_80 : memref<1x128xi32, #tpu.memory_space<vmem>> -> memref<128xi32, #tpu.memory_space<vmem>>
        %dma_wait3A_82 = arith.constant 0 : i32
        %dma_wait3A_83 = arith.constant 0 : i32
        %dma_wait3A_84 = tpu.memref_slice %arg2[%dma_wait3A_82, %dma_wait3A_83] : memref<40000x128xf32, #tpu.memory_space<hbm>> -> memref<40000x128xf32, #tpu.memory_space<hbm>>
        tpu.wait_indirect_dma semaphore(%arg11 : memref<!tpu.dma_semaphore, #tpu.memory_space<semaphore_mem>>) src(%dma_wait3A_84 : memref<40000x128xf32, #tpu.memory_space<hbm>>) dst(%dma_wait3A_78 : memref<128x128xf32, #tpu.memory_space<vmem>>)
        "tpu.region"() ({
          %run_scoped3A_90 = tpu.sem_alloc : memref<!tpu.dma_semaphore, #tpu.memory_space<semaphore_mem>>
          %dma_start3A_91 = arith.constant 0 : i32
          %dma_start3A_92 = tpu.memref_slice %arg10[%mul3A_77, %dma_start3A_91] : memref<256x128xf32, #tpu.memory_space<vmem>> -> memref<128x128xf32, #tpu.memory_space<vmem>>
          %dma_start3A_93 = arith.constant 0 : i32
          %dma_start3A_94 = tpu.memref_slice %arg9[%scan3A_67, %dma_start3A_93] : memref<32x128xi32, #tpu.memory_space<vmem>> -> memref<1x128xi32, #tpu.memory_space<vmem>>
          %dma_start3A_95 = tpu.memref_squeeze %dma_start3A_94 : memref<1x128xi32, #tpu.memory_space<vmem>> -> memref<128xi32, #tpu.memory_space<vmem>>
          %dma_start3A_96 = arith.constant 0 : i32
          %dma_start3A_97 = arith.constant 0 : i32
          %dma_start3A_98 = tpu.memref_slice %arg7[%dma_start3A_96, %dma_start3A_97] : memref<10240x128xf32, #tpu.memory_space<vmem_shared>> -> memref<10240x128xf32, #tpu.memory_space<vmem_shared>>
          tpu.enqueue_indirect_dma source(%dma_start3A_92 : memref<128x128xf32, #tpu.memory_space<vmem>>) target(%dma_start3A_98 : memref<10240x128xf32, #tpu.memory_space<vmem_shared>>) offsets(%dma_start3A_95 : memref<128xi32, #tpu.memory_space<vmem>>) semaphore(%run_scoped3A_90 : memref<!tpu.dma_semaphore, #tpu.memory_space<semaphore_mem>>) {add = true}
          %dma_wait3A_99 = arith.constant 0 : i32
          %dma_wait3A_100 = tpu.memref_slice %arg10[%mul3A_77, %dma_wait3A_99] : memref<256x128xf32, #tpu.memory_space<vmem>> -> memref<128x128xf32, #tpu.memory_space<vmem>>
          %dma_wait3A_101 = arith.constant 0 : i32
          %dma_wait3A_102 = tpu.memref_slice %arg9[%scan3A_67, %dma_wait3A_101] : memref<32x128xi32, #tpu.memory_space<vmem>> -> memref<1x128xi32, #tpu.memory_space<vmem>>
          %dma_wait3A_103 = tpu.memref_squeeze %dma_wait3A_102 : memref<1x128xi32, #tpu.memory_space<vmem>> -> memref<128xi32, #tpu.memory_space<vmem>>
          %dma_wait3A_104 = arith.constant 0 : i32
          %dma_wait3A_105 = arith.constant 0 : i32
          %dma_wait3A_106 = tpu.memref_slice %arg7[%dma_wait3A_104, %dma_wait3A_105] : memref<10240x128xf32, #tpu.memory_space<vmem_shared>> -> memref<10240x128xf32, #tpu.memory_space<vmem_shared>>
          tpu.wait_indirect_dma semaphore(%run_scoped3A_90 : memref<!tpu.dma_semaphore, #tpu.memory_space<semaphore_mem>>) src(%dma_wait3A_100 : memref<128x128xf32, #tpu.memory_space<vmem>>) dst(%dma_wait3A_106 : memref<10240x128xf32, #tpu.memory_space<vmem_shared>>)
          tpu.yield
        }) : () -> ()
        %add3A_85 = arith.constant 2 : i32
        %add3A_86 = arith.addi %scan3A_67, %add3A_85 : i32
        %lt3A_87 = arith.constant 32 : i32
        %lt3A_88 = arith.cmpi slt, %add3A_86, %lt3A_87 : i32
        %convert_element_type3A = arith.extui %lt3A_88 : i1 to i32
        %cond3A = arith.constant 0 : i32
        %cond3A_89 = arith.cmpi ne, %convert_element_type3A, %cond3A : i32
        scf.if %cond3A_89 {
          %add3A_90 = arith.constant 2 : i32
          %add3A_91 = arith.addi %scan3A_67, %add3A_90 : i32
          %dma_start3A_92 = arith.constant 0 : i32
          %dma_start3A_93 = tpu.memref_slice %arg10[%mul3A_77, %dma_start3A_92] : memref<256x128xf32, #tpu.memory_space<vmem>> -> memref<128x128xf32, #tpu.memory_space<vmem>>
          %dma_start3A_94 = arith.constant 0 : i32
          %dma_start3A_95 = tpu.memref_slice %arg8[%add3A_91, %dma_start3A_94] : memref<32x128xi32, #tpu.memory_space<vmem>> -> memref<1x128xi32, #tpu.memory_space<vmem>>
          %dma_start3A_96 = tpu.memref_squeeze %dma_start3A_95 : memref<1x128xi32, #tpu.memory_space<vmem>> -> memref<128xi32, #tpu.memory_space<vmem>>
          %dma_start3A_97 = arith.constant 0 : i32
          %dma_start3A_98 = arith.constant 0 : i32
          %dma_start3A_99 = tpu.memref_slice %arg2[%dma_start3A_97, %dma_start3A_98] : memref<40000x128xf32, #tpu.memory_space<hbm>> -> memref<40000x128xf32, #tpu.memory_space<hbm>>
          tpu.enqueue_indirect_dma source(%dma_start3A_99 : memref<40000x128xf32, #tpu.memory_space<hbm>>) target(%dma_start3A_93 : memref<128x128xf32, #tpu.memory_space<vmem>>) offsets(%dma_start3A_96 : memref<128xi32, #tpu.memory_space<vmem>>) semaphore(%arg11 : memref<!tpu.dma_semaphore, #tpu.memory_space<semaphore_mem>>)
        } else {
        }
      }
      %scan3A_66 = arith.constant 32 : i32
    }
    %scan3A_24 = arith.constant 5 : i32
    %barrier3A_25 = arith.constant 0 : index
    tpu.barrier barrier_id(%barrier3A_25)
    %run_scoped3A_26 = arith.constant 2 : i32
    "tpu.region"() ({
      %run_scoped3A_38 = tpu.sem_alloc : memref<!tpu.dma_semaphore, #tpu.memory_space<semaphore_mem>>
      %dma_start3A = arith.constant 0 : i32
      %dma_start3A_39 = tpu.memref_slice %arg6[%arg0, %run_scoped3A_26, %mul3A_0, %dma_start3A] : memref<2x4x10240x128xf32, #tpu.memory_space<hbm>> -> memref<1x1x640x128xf32, #tpu.memory_space<hbm>>
      %dma_start3A_40 = tpu.memref_squeeze %dma_start3A_39 : memref<1x1x640x128xf32, #tpu.memory_space<hbm>> -> memref<640x128xf32, #tpu.memory_space<hbm>>
      %dma_start3A_41 = arith.constant 0 : i32
      %dma_start3A_42 = tpu.memref_slice %arg7[%mul3A_0, %dma_start3A_41] : memref<10240x128xf32, #tpu.memory_space<vmem_shared>> -> memref<640x128xf32, #tpu.memory_space<vmem_shared>>
      tpu.enqueue_dma source(%dma_start3A_42 : memref<640x128xf32, #tpu.memory_space<vmem_shared>>) target(%dma_start3A_40 : memref<640x128xf32, #tpu.memory_space<hbm>>) target_semaphore(%run_scoped3A_38 : memref<!tpu.dma_semaphore, #tpu.memory_space<semaphore_mem>>)
      %dma_wait3A = arith.constant 0 : i32
      %dma_wait3A_43 = tpu.memref_slice %arg6[%arg0, %run_scoped3A_26, %mul3A_0, %dma_wait3A] : memref<2x4x10240x128xf32, #tpu.memory_space<hbm>> -> memref<1x1x640x128xf32, #tpu.memory_space<hbm>>
      %dma_wait3A_44 = tpu.memref_squeeze %dma_wait3A_43 : memref<1x1x640x128xf32, #tpu.memory_space<hbm>> -> memref<640x128xf32, #tpu.memory_space<hbm>>
      %dma_wait3A_45 = arith.constant 0 : i32
      %dma_wait3A_46 = tpu.memref_slice %arg7[%mul3A_0, %dma_wait3A_45] : memref<10240x128xf32, #tpu.memory_space<vmem_shared>> -> memref<640x128xf32, #tpu.memory_space<vmem_shared>>
      tpu.wait_dma2 semaphore(%run_scoped3A_38 : memref<!tpu.dma_semaphore, #tpu.memory_space<semaphore_mem>>) src(%dma_wait3A_46 : memref<640x128xf32, #tpu.memory_space<vmem_shared>>) dst(%dma_wait3A_44 : memref<640x128xf32, #tpu.memory_space<hbm>>)
      tpu.yield
    }) : () -> ()
    %barrier3A_27 = arith.constant 0 : index
    tpu.barrier barrier_id(%barrier3A_27)
    "tpu.region"() ({
      %run_scoped3A_38 = tpu.sem_alloc : memref<!tpu.dma_semaphore, #tpu.memory_space<semaphore_mem>>
      %dma_start3A = arith.constant 0 : i32
      %dma_start3A_39 = tpu.memref_slice %arg7[%mul3A_0, %dma_start3A] : memref<10240x128xf32, #tpu.memory_space<vmem_shared>> -> memref<640x128xf32, #tpu.memory_space<vmem_shared>>
      %dma_start3A_40 = arith.constant 0 : i32
      %dma_start3A_41 = tpu.memref_slice %arg5[%mul3A_0, %dma_start3A_40] : memref<10240x128xf32, #tpu.memory_space<hbm>> -> memref<640x128xf32, #tpu.memory_space<hbm>>
      tpu.enqueue_dma source(%dma_start3A_41 : memref<640x128xf32, #tpu.memory_space<hbm>>) target(%dma_start3A_39 : memref<640x128xf32, #tpu.memory_space<vmem_shared>>) target_semaphore(%run_scoped3A_38 : memref<!tpu.dma_semaphore, #tpu.memory_space<semaphore_mem>>)
      %dma_wait3A = arith.constant 0 : i32
      %dma_wait3A_42 = tpu.memref_slice %arg7[%mul3A_0, %dma_wait3A] : memref<10240x128xf32, #tpu.memory_space<vmem_shared>> -> memref<640x128xf32, #tpu.memory_space<vmem_shared>>
      %dma_wait3A_43 = arith.constant 0 : i32
      %dma_wait3A_44 = tpu.memref_slice %arg5[%mul3A_0, %dma_wait3A_43] : memref<10240x128xf32, #tpu.memory_space<hbm>> -> memref<640x128xf32, #tpu.memory_space<hbm>>
      tpu.wait_dma2 semaphore(%run_scoped3A_38 : memref<!tpu.dma_semaphore, #tpu.memory_space<semaphore_mem>>) src(%dma_wait3A_44 : memref<640x128xf32, #tpu.memory_space<hbm>>) dst(%dma_wait3A_42 : memref<640x128xf32, #tpu.memory_space<vmem_shared>>)
      tpu.yield
    }) : () -> ()
    %barrier3A_28 = arith.constant 0 : index
    tpu.barrier barrier_id(%barrier3A_28)
    %scan3A_29 = arith.constant 0 : i32
    %scan3A_30 = arith.constant 0 : i32
    %scan3A_31 = arith.constant 5 : i32
    %scan3A_32 = arith.addi %scan3A_30, %scan3A_31 : i32
    %scan3A_33 = arith.constant 1 : i32
    scf.for %scan3A_38 = %scan3A_30 to %scan3A_32 step %scan3A_33  : i32 {
      %mul3A_39 = arith.constant 32 : i32
      %mul3A_40 = arith.muli %scan3A_38, %mul3A_39 : i32
      %run_scoped3A_41 = arith.constant 3 : i32
      "tpu.region"() ({
        %run_scoped3A_67 = tpu.sem_alloc : memref<!tpu.dma_semaphore, #tpu.memory_space<semaphore_mem>>
        %dma_start3A_68 = arith.constant 0 : i32
        %dma_start3A_69 = tpu.memref_slice %arg3[%arg0, %run_scoped3A_41, %arg1, %mul3A_40, %dma_start3A_68] : memref<2x4x16x160x128xi32, #tpu.memory_space<hbm>> -> memref<1x1x1x32x128xi32, #tpu.memory_space<hbm>>
        %dma_start3A_70 = tpu.memref_squeeze %dma_start3A_69 : memref<1x1x1x32x128xi32, #tpu.memory_space<hbm>> -> memref<32x128xi32, #tpu.memory_space<hbm>>
        %dma_start3A_71 = arith.constant 0 : i32
        %dma_start3A_72 = tpu.memref_slice %arg3[%arg0, %run_scoped3A_41, %arg1, %mul3A_40, %dma_start3A_71] : memref<2x4x16x160x128xi32, #tpu.memory_space<hbm>> -> memref<1x1x1x32x128xi32, #tpu.memory_space<hbm>>
        %dma_start3A_73 = tpu.memref_squeeze %dma_start3A_72 : memref<1x1x1x32x128xi32, #tpu.memory_space<hbm>> -> memref<32x128xi32, #tpu.memory_space<hbm>>
        tpu.enqueue_dma source(%dma_start3A_73 : memref<32x128xi32, #tpu.memory_space<hbm>>) target(%arg8 : memref<32x128xi32, #tpu.memory_space<vmem>>) target_semaphore(%run_scoped3A_67 : memref<!tpu.dma_semaphore, #tpu.memory_space<semaphore_mem>>)
        %dma_wait3A = arith.constant 0 : i32
        %dma_wait3A_74 = tpu.memref_slice %arg3[%arg0, %run_scoped3A_41, %arg1, %mul3A_40, %dma_wait3A] : memref<2x4x16x160x128xi32, #tpu.memory_space<hbm>> -> memref<1x1x1x32x128xi32, #tpu.memory_space<hbm>>
        %dma_wait3A_75 = tpu.memref_squeeze %dma_wait3A_74 : memref<1x1x1x32x128xi32, #tpu.memory_space<hbm>> -> memref<32x128xi32, #tpu.memory_space<hbm>>
        %dma_wait3A_76 = arith.constant 0 : i32
        %dma_wait3A_77 = tpu.memref_slice %arg3[%arg0, %run_scoped3A_41, %arg1, %mul3A_40, %dma_wait3A_76] : memref<2x4x16x160x128xi32, #tpu.memory_space<hbm>> -> memref<1x1x1x32x128xi32, #tpu.memory_space<hbm>>
        %dma_wait3A_78 = tpu.memref_squeeze %dma_wait3A_77 : memref<1x1x1x32x128xi32, #tpu.memory_space<hbm>> -> memref<32x128xi32, #tpu.memory_space<hbm>>
        tpu.wait_dma2 semaphore(%run_scoped3A_67 : memref<!tpu.dma_semaphore, #tpu.memory_space<semaphore_mem>>) src(%dma_wait3A_78 : memref<32x128xi32, #tpu.memory_space<hbm>>) dst(%arg8 : memref<32x128xi32, #tpu.memory_space<vmem>>)
        tpu.yield
      }) : () -> ()
      "tpu.region"() ({
        %run_scoped3A_67 = tpu.sem_alloc : memref<!tpu.dma_semaphore, #tpu.memory_space<semaphore_mem>>
        %dma_start3A_68 = arith.constant 0 : i32
        %dma_start3A_69 = tpu.memref_slice %arg4[%arg0, %arg1, %mul3A_40, %dma_start3A_68] : memref<2x16x160x128xi32, #tpu.memory_space<hbm>> -> memref<1x1x32x128xi32, #tpu.memory_space<hbm>>
        %dma_start3A_70 = tpu.memref_squeeze %dma_start3A_69 : memref<1x1x32x128xi32, #tpu.memory_space<hbm>> -> memref<32x128xi32, #tpu.memory_space<hbm>>
        %dma_start3A_71 = arith.constant 0 : i32
        %dma_start3A_72 = tpu.memref_slice %arg4[%arg0, %arg1, %mul3A_40, %dma_start3A_71] : memref<2x16x160x128xi32, #tpu.memory_space<hbm>> -> memref<1x1x32x128xi32, #tpu.memory_space<hbm>>
        %dma_start3A_73 = tpu.memref_squeeze %dma_start3A_72 : memref<1x1x32x128xi32, #tpu.memory_space<hbm>> -> memref<32x128xi32, #tpu.memory_space<hbm>>
        tpu.enqueue_dma source(%dma_start3A_73 : memref<32x128xi32, #tpu.memory_space<hbm>>) target(%arg9 : memref<32x128xi32, #tpu.memory_space<vmem>>) target_semaphore(%run_scoped3A_67 : memref<!tpu.dma_semaphore, #tpu.memory_space<semaphore_mem>>)
        %dma_wait3A = arith.constant 0 : i32
        %dma_wait3A_74 = tpu.memref_slice %arg4[%arg0, %arg1, %mul3A_40, %dma_wait3A] : memref<2x16x160x128xi32, #tpu.memory_space<hbm>> -> memref<1x1x32x128xi32, #tpu.memory_space<hbm>>
        %dma_wait3A_75 = tpu.memref_squeeze %dma_wait3A_74 : memref<1x1x32x128xi32, #tpu.memory_space<hbm>> -> memref<32x128xi32, #tpu.memory_space<hbm>>
        %dma_wait3A_76 = arith.constant 0 : i32
        %dma_wait3A_77 = tpu.memref_slice %arg4[%arg0, %arg1, %mul3A_40, %dma_wait3A_76] : memref<2x16x160x128xi32, #tpu.memory_space<hbm>> -> memref<1x1x32x128xi32, #tpu.memory_space<hbm>>
        %dma_wait3A_78 = tpu.memref_squeeze %dma_wait3A_77 : memref<1x1x32x128xi32, #tpu.memory_space<hbm>> -> memref<32x128xi32, #tpu.memory_space<hbm>>
        tpu.wait_dma2 semaphore(%run_scoped3A_67 : memref<!tpu.dma_semaphore, #tpu.memory_space<semaphore_mem>>) src(%dma_wait3A_78 : memref<32x128xi32, #tpu.memory_space<hbm>>) dst(%arg9 : memref<32x128xi32, #tpu.memory_space<vmem>>)
        tpu.yield
      }) : () -> ()
      %dma_start3A = arith.constant 0 : i32
      %dma_start3A_42 = arith.constant 0 : i32
      %dma_start3A_43 = arith.constant 0 : i32
      %dma_start3A_44 = tpu.memref_slice %arg10[%dma_start3A_42, %dma_start3A_43] : memref<256x128xf32, #tpu.memory_space<vmem>> -> memref<128x128xf32, #tpu.memory_space<vmem>>
      %dma_start3A_45 = arith.constant 0 : i32
      %dma_start3A_46 = tpu.memref_slice %arg8[%dma_start3A, %dma_start3A_45] : memref<32x128xi32, #tpu.memory_space<vmem>> -> memref<1x128xi32, #tpu.memory_space<vmem>>
      %dma_start3A_47 = tpu.memref_squeeze %dma_start3A_46 : memref<1x128xi32, #tpu.memory_space<vmem>> -> memref<128xi32, #tpu.memory_space<vmem>>
      %dma_start3A_48 = arith.constant 0 : i32
      %dma_start3A_49 = arith.constant 0 : i32
      %dma_start3A_50 = tpu.memref_slice %arg2[%dma_start3A_48, %dma_start3A_49] : memref<40000x128xf32, #tpu.memory_space<hbm>> -> memref<40000x128xf32, #tpu.memory_space<hbm>>
      tpu.enqueue_indirect_dma source(%dma_start3A_50 : memref<40000x128xf32, #tpu.memory_space<hbm>>) target(%dma_start3A_44 : memref<128x128xf32, #tpu.memory_space<vmem>>) offsets(%dma_start3A_47 : memref<128xi32, #tpu.memory_space<vmem>>) semaphore(%arg11 : memref<!tpu.dma_semaphore, #tpu.memory_space<semaphore_mem>>)
      %dma_start3A_51 = arith.constant 1 : i32
      %dma_start3A_52 = arith.constant 128 : i32
      %dma_start3A_53 = arith.constant 0 : i32
      %dma_start3A_54 = tpu.memref_slice %arg10[%dma_start3A_52, %dma_start3A_53] : memref<256x128xf32, #tpu.memory_space<vmem>> -> memref<128x128xf32, #tpu.memory_space<vmem>>
      %dma_start3A_55 = arith.constant 0 : i32
      %dma_start3A_56 = tpu.memref_slice %arg8[%dma_start3A_51, %dma_start3A_55] : memref<32x128xi32, #tpu.memory_space<vmem>> -> memref<1x128xi32, #tpu.memory_space<vmem>>
      %dma_start3A_57 = tpu.memref_squeeze %dma_start3A_56 : memref<1x128xi32, #tpu.memory_space<vmem>> -> memref<128xi32, #tpu.memory_space<vmem>>
      %dma_start3A_58 = arith.constant 0 : i32
      %dma_start3A_59 = arith.constant 0 : i32
      %dma_start3A_60 = tpu.memref_slice %arg2[%dma_start3A_58, %dma_start3A_59] : memref<40000x128xf32, #tpu.memory_space<hbm>> -> memref<40000x128xf32, #tpu.memory_space<hbm>>
      tpu.enqueue_indirect_dma source(%dma_start3A_60 : memref<40000x128xf32, #tpu.memory_space<hbm>>) target(%dma_start3A_54 : memref<128x128xf32, #tpu.memory_space<vmem>>) offsets(%dma_start3A_57 : memref<128xi32, #tpu.memory_space<vmem>>) semaphore(%arg11 : memref<!tpu.dma_semaphore, #tpu.memory_space<semaphore_mem>>)
      %scan3A_61 = arith.constant 0 : i32
      %scan3A_62 = arith.constant 0 : i32
      %scan3A_63 = arith.constant 32 : i32
      %scan3A_64 = arith.addi %scan3A_62, %scan3A_63 : i32
      %scan3A_65 = arith.constant 1 : i32
      scf.for %scan3A_67 = %scan3A_62 to %scan3A_64 step %scan3A_65  : i32 {
        %jit3A = arith.constant 2 : i32
        %eq3A = arith.constant 0 : i32
        %eq3A_68 = arith.cmpi eq, %jit3A, %eq3A : i32
        %jit3A_69 = arith.constant 1 : i32
        %select_n3A = arith.select %eq3A_68, %jit3A_69, %jit3A : i32
        %rem3A = arith.remsi %scan3A_67, %select_n3A : i32
        %ne3A = arith.constant 0 : i32
        %ne3A_70 = arith.cmpi ne, %rem3A, %ne3A : i32
        %lt3A = arith.constant 0 : i32
        %lt3A_71 = arith.cmpi slt, %rem3A, %lt3A : i32
        %lt3A_72 = arith.constant 0 : i32
        %lt3A_73 = arith.cmpi slt, %select_n3A, %lt3A_72 : i32
        %ne3A_74 = arith.xori %lt3A_71, %lt3A_73 : i1
        %and3A = arith.andi %ne3A_74, %ne3A_70 : i1
        %add3A = arith.addi %rem3A, %select_n3A : i32
        %select_n3A_75 = arith.select %and3A, %add3A, %rem3A : i32
        %mul3A_76 = arith.constant 128 : i32
        %mul3A_77 = arith.muli %select_n3A_75, %mul3A_76 : i32
        %dma_wait3A = arith.constant 0 : i32
        %dma_wait3A_78 = tpu.memref_slice %arg10[%mul3A_77, %dma_wait3A] : memref<256x128xf32, #tpu.memory_space<vmem>> -> memref<128x128xf32, #tpu.memory_space<vmem>>
        %dma_wait3A_79 = arith.constant 0 : i32
        %dma_wait3A_80 = tpu.memref_slice %arg8[%scan3A_67, %dma_wait3A_79] : memref<32x128xi32, #tpu.memory_space<vmem>> -> memref<1x128xi32, #tpu.memory_space<vmem>>
        %dma_wait3A_81 = tpu.memref_squeeze %dma_wait3A_80 : memref<1x128xi32, #tpu.memory_space<vmem>> -> memref<128xi32, #tpu.memory_space<vmem>>
        %dma_wait3A_82 = arith.constant 0 : i32
        %dma_wait3A_83 = arith.constant 0 : i32
        %dma_wait3A_84 = tpu.memref_slice %arg2[%dma_wait3A_82, %dma_wait3A_83] : memref<40000x128xf32, #tpu.memory_space<hbm>> -> memref<40000x128xf32, #tpu.memory_space<hbm>>
        tpu.wait_indirect_dma semaphore(%arg11 : memref<!tpu.dma_semaphore, #tpu.memory_space<semaphore_mem>>) src(%dma_wait3A_84 : memref<40000x128xf32, #tpu.memory_space<hbm>>) dst(%dma_wait3A_78 : memref<128x128xf32, #tpu.memory_space<vmem>>)
        "tpu.region"() ({
          %run_scoped3A_90 = tpu.sem_alloc : memref<!tpu.dma_semaphore, #tpu.memory_space<semaphore_mem>>
          %dma_start3A_91 = arith.constant 0 : i32
          %dma_start3A_92 = tpu.memref_slice %arg10[%mul3A_77, %dma_start3A_91] : memref<256x128xf32, #tpu.memory_space<vmem>> -> memref<128x128xf32, #tpu.memory_space<vmem>>
          %dma_start3A_93 = arith.constant 0 : i32
          %dma_start3A_94 = tpu.memref_slice %arg9[%scan3A_67, %dma_start3A_93] : memref<32x128xi32, #tpu.memory_space<vmem>> -> memref<1x128xi32, #tpu.memory_space<vmem>>
          %dma_start3A_95 = tpu.memref_squeeze %dma_start3A_94 : memref<1x128xi32, #tpu.memory_space<vmem>> -> memref<128xi32, #tpu.memory_space<vmem>>
          %dma_start3A_96 = arith.constant 0 : i32
          %dma_start3A_97 = arith.constant 0 : i32
          %dma_start3A_98 = tpu.memref_slice %arg7[%dma_start3A_96, %dma_start3A_97] : memref<10240x128xf32, #tpu.memory_space<vmem_shared>> -> memref<10240x128xf32, #tpu.memory_space<vmem_shared>>
          tpu.enqueue_indirect_dma source(%dma_start3A_92 : memref<128x128xf32, #tpu.memory_space<vmem>>) target(%dma_start3A_98 : memref<10240x128xf32, #tpu.memory_space<vmem_shared>>) offsets(%dma_start3A_95 : memref<128xi32, #tpu.memory_space<vmem>>) semaphore(%run_scoped3A_90 : memref<!tpu.dma_semaphore, #tpu.memory_space<semaphore_mem>>) {add = true}
          %dma_wait3A_99 = arith.constant 0 : i32
          %dma_wait3A_100 = tpu.memref_slice %arg10[%mul3A_77, %dma_wait3A_99] : memref<256x128xf32, #tpu.memory_space<vmem>> -> memref<128x128xf32, #tpu.memory_space<vmem>>
          %dma_wait3A_101 = arith.constant 0 : i32
          %dma_wait3A_102 = tpu.memref_slice %arg9[%scan3A_67, %dma_wait3A_101] : memref<32x128xi32, #tpu.memory_space<vmem>> -> memref<1x128xi32, #tpu.memory_space<vmem>>
          %dma_wait3A_103 = tpu.memref_squeeze %dma_wait3A_102 : memref<1x128xi32, #tpu.memory_space<vmem>> -> memref<128xi32, #tpu.memory_space<vmem>>
          %dma_wait3A_104 = arith.constant 0 : i32
          %dma_wait3A_105 = arith.constant 0 : i32
          %dma_wait3A_106 = tpu.memref_slice %arg7[%dma_wait3A_104, %dma_wait3A_105] : memref<10240x128xf32, #tpu.memory_space<vmem_shared>> -> memref<10240x128xf32, #tpu.memory_space<vmem_shared>>
          tpu.wait_indirect_dma semaphore(%run_scoped3A_90 : memref<!tpu.dma_semaphore, #tpu.memory_space<semaphore_mem>>) src(%dma_wait3A_100 : memref<128x128xf32, #tpu.memory_space<vmem>>) dst(%dma_wait3A_106 : memref<10240x128xf32, #tpu.memory_space<vmem_shared>>)
          tpu.yield
        }) : () -> ()
        %add3A_85 = arith.constant 2 : i32
        %add3A_86 = arith.addi %scan3A_67, %add3A_85 : i32
        %lt3A_87 = arith.constant 32 : i32
        %lt3A_88 = arith.cmpi slt, %add3A_86, %lt3A_87 : i32
        %convert_element_type3A = arith.extui %lt3A_88 : i1 to i32
        %cond3A = arith.constant 0 : i32
        %cond3A_89 = arith.cmpi ne, %convert_element_type3A, %cond3A : i32
        scf.if %cond3A_89 {
          %add3A_90 = arith.constant 2 : i32
          %add3A_91 = arith.addi %scan3A_67, %add3A_90 : i32
          %dma_start3A_92 = arith.constant 0 : i32
          %dma_start3A_93 = tpu.memref_slice %arg10[%mul3A_77, %dma_start3A_92] : memref<256x128xf32, #tpu.memory_space<vmem>> -> memref<128x128xf32, #tpu.memory_space<vmem>>
          %dma_start3A_94 = arith.constant 0 : i32
          %dma_start3A_95 = tpu.memref_slice %arg8[%add3A_91, %dma_start3A_94] : memref<32x128xi32, #tpu.memory_space<vmem>> -> memref<1x128xi32, #tpu.memory_space<vmem>>
          %dma_start3A_96 = tpu.memref_squeeze %dma_start3A_95 : memref<1x128xi32, #tpu.memory_space<vmem>> -> memref<128xi32, #tpu.memory_space<vmem>>
          %dma_start3A_97 = arith.constant 0 : i32
          %dma_start3A_98 = arith.constant 0 : i32
          %dma_start3A_99 = tpu.memref_slice %arg2[%dma_start3A_97, %dma_start3A_98] : memref<40000x128xf32, #tpu.memory_space<hbm>> -> memref<40000x128xf32, #tpu.memory_space<hbm>>
          tpu.enqueue_indirect_dma source(%dma_start3A_99 : memref<40000x128xf32, #tpu.memory_space<hbm>>) target(%dma_start3A_93 : memref<128x128xf32, #tpu.memory_space<vmem>>) offsets(%dma_start3A_96 : memref<128xi32, #tpu.memory_space<vmem>>) semaphore(%arg11 : memref<!tpu.dma_semaphore, #tpu.memory_space<semaphore_mem>>)
        } else {
        }
      }
      %scan3A_66 = arith.constant 32 : i32
    }
    %scan3A_34 = arith.constant 5 : i32
    %barrier3A_35 = arith.constant 0 : index
    tpu.barrier barrier_id(%barrier3A_35)
    %run_scoped3A_36 = arith.constant 3 : i32
    "tpu.region"() ({
      %run_scoped3A_38 = tpu.sem_alloc : memref<!tpu.dma_semaphore, #tpu.memory_space<semaphore_mem>>
      %dma_start3A = arith.constant 0 : i32
      %dma_start3A_39 = tpu.memref_slice %arg6[%arg0, %run_scoped3A_36, %mul3A_0, %dma_start3A] : memref<2x4x10240x128xf32, #tpu.memory_space<hbm>> -> memref<1x1x640x128xf32, #tpu.memory_space<hbm>>
      %dma_start3A_40 = tpu.memref_squeeze %dma_start3A_39 : memref<1x1x640x128xf32, #tpu.memory_space<hbm>> -> memref<640x128xf32, #tpu.memory_space<hbm>>
      %dma_start3A_41 = arith.constant 0 : i32
      %dma_start3A_42 = tpu.memref_slice %arg7[%mul3A_0, %dma_start3A_41] : memref<10240x128xf32, #tpu.memory_space<vmem_shared>> -> memref<640x128xf32, #tpu.memory_space<vmem_shared>>
      tpu.enqueue_dma source(%dma_start3A_42 : memref<640x128xf32, #tpu.memory_space<vmem_shared>>) target(%dma_start3A_40 : memref<640x128xf32, #tpu.memory_space<hbm>>) target_semaphore(%run_scoped3A_38 : memref<!tpu.dma_semaphore, #tpu.memory_space<semaphore_mem>>)
      %dma_wait3A = arith.constant 0 : i32
      %dma_wait3A_43 = tpu.memref_slice %arg6[%arg0, %run_scoped3A_36, %mul3A_0, %dma_wait3A] : memref<2x4x10240x128xf32, #tpu.memory_space<hbm>> -> memref<1x1x640x128xf32, #tpu.memory_space<hbm>>
      %dma_wait3A_44 = tpu.memref_squeeze %dma_wait3A_43 : memref<1x1x640x128xf32, #tpu.memory_space<hbm>> -> memref<640x128xf32, #tpu.memory_space<hbm>>
      %dma_wait3A_45 = arith.constant 0 : i32
      %dma_wait3A_46 = tpu.memref_slice %arg7[%mul3A_0, %dma_wait3A_45] : memref<10240x128xf32, #tpu.memory_space<vmem_shared>> -> memref<640x128xf32, #tpu.memory_space<vmem_shared>>
      tpu.wait_dma2 semaphore(%run_scoped3A_38 : memref<!tpu.dma_semaphore, #tpu.memory_space<semaphore_mem>>) src(%dma_wait3A_46 : memref<640x128xf32, #tpu.memory_space<vmem_shared>>) dst(%dma_wait3A_44 : memref<640x128xf32, #tpu.memory_space<hbm>>)
      tpu.yield
    }) : () -> ()
    %barrier3A_37 = arith.constant 0 : index
    tpu.barrier barrier_id(%barrier3A_37)
    return
  }
}

module attributes {stable_mosaic.version = 14 : i64} {
  func.func @_tc_body(%arg0: i32, %arg1: i32, %arg2: memref<1x1000x128xf32, #tpu.memory_space<vmem>>, %arg3: memref<1x1000x128xf32, #tpu.memory_space<vmem>>, %arg4: memref<1x1000x128xf32, #tpu.memory_space<vmem>>, %arg5: memref<128x128xf32, #tpu.memory_space<vmem>>, %arg6: memref<1x128xf32, #tpu.memory_space<vmem>>, %arg7: memref<128x128xf32, #tpu.memory_space<vmem>>, %arg8: memref<1x128xf32, #tpu.memory_space<vmem>>, %arg9: memref<128x128xf32, #tpu.memory_space<vmem>>, %arg10: memref<1x128xf32, #tpu.memory_space<vmem>>, %arg11: memref<1x384xf32, #tpu.memory_space<vmem>>, %arg12: memref<1x384xf32, #tpu.memory_space<vmem>>, %arg13: memref<384x128xf32, #tpu.memory_space<vmem>>, %arg14: memref<1x128xf32, #tpu.memory_space<vmem>>, %arg15: memref<1x128xf32, #tpu.memory_space<vmem>>, %arg16: memref<1x128xf32, #tpu.memory_space<vmem>>, %arg17: memref<1x1000x128xf32, #tpu.memory_space<vmem>>) attributes {dimension_semantics = [#tpu.dimension_semantics<arbitrary>, #tpu.dimension_semantics<arbitrary>], iteration_bounds = array<i64: 4, 10>, scalar_prefetch = 0 : i64, scratch_operands = 0 : i64, tpu.core_type = #tpu.core_type<tc>, window_params = [{transform_indices = @transform_0, window_bounds = array<i64: 1, 1000, 128>}, {transform_indices = @transform_1, window_bounds = array<i64: 1, 1000, 128>}, {transform_indices = @transform_2, window_bounds = array<i64: 1, 1000, 128>}, {pipeline_mode = #tpu.pipeline_mode<synchronous>, transform_indices = @transform_3, window_bounds = array<i64: 128, 128>}, {pipeline_mode = #tpu.pipeline_mode<synchronous>, transform_indices = @transform_4, window_bounds = array<i64: 1, 128>}, {pipeline_mode = #tpu.pipeline_mode<synchronous>, transform_indices = @transform_5, window_bounds = array<i64: 128, 128>}, {pipeline_mode = #tpu.pipeline_mode<synchronous>, transform_indices = @transform_6, window_bounds = array<i64: 1, 128>}, {pipeline_mode = #tpu.pipeline_mode<synchronous>, transform_indices = @transform_7, window_bounds = array<i64: 128, 128>}, {pipeline_mode = #tpu.pipeline_mode<synchronous>, transform_indices = @transform_8, window_bounds = array<i64: 1, 128>}, {pipeline_mode = #tpu.pipeline_mode<synchronous>, transform_indices = @transform_9, window_bounds = array<i64: 1, 384>}, {pipeline_mode = #tpu.pipeline_mode<synchronous>, transform_indices = @transform_10, window_bounds = array<i64: 1, 384>}, {pipeline_mode = #tpu.pipeline_mode<synchronous>, transform_indices = @transform_11, window_bounds = array<i64: 384, 128>}, {pipeline_mode = #tpu.pipeline_mode<synchronous>, transform_indices = @transform_12, window_bounds = array<i64: 1, 128>}, {pipeline_mode = #tpu.pipeline_mode<synchronous>, transform_indices = @transform_13, window_bounds = array<i64: 1, 128>}, {pipeline_mode = #tpu.pipeline_mode<synchronous>, transform_indices = @transform_14, window_bounds = array<i64: 1, 128>}, {transform_indices = @transform_15, window_bounds = array<i64: 1, 1000, 128>}]} {
    %get3A = arith.constant 0 : index
    %get3A_0 = arith.constant 0 : index
    %get3A_1 = arith.constant 0 : index
    %get3A_2 = vector.load %arg2[%get3A, %get3A_0, %get3A_1] : memref<1x1000x128xf32, #tpu.memory_space<vmem>>, vector<1x1000x128xf32>
    %get3A_3 = vector.shape_cast %get3A_2 : vector<1x1000x128xf32> to vector<1000x128xf32>
    %get3A_4 = arith.constant 0 : index
    %get3A_5 = arith.constant 0 : index
    %get3A_6 = vector.load %arg5[%get3A_4, %get3A_5] : memref<128x128xf32, #tpu.memory_space<vmem>>, vector<128x128xf32>
    %dot_general3A = arith.constant dense<0.000000e+00> : vector<1000x128xf32>
    %dot_general3A_7 = tpu.matmul %get3A_3, %get3A_6, %dot_general3A {dimension_numbers = #tpu.dot_dimension_numbers<[1], [0], [0], [1], [0, 0, 1, 1], [], []>, transpose_lhs_hint = false} : vector<1000x128xf32>, vector<128x128xf32>, vector<1000x128xf32> -> vector<1000x128xf32>
    %get3A_8 = arith.constant 0 : index
    %get3A_9 = arith.constant 0 : index
    %get3A_10 = vector.load %arg6[%get3A_8, %get3A_9] : memref<1x128xf32, #tpu.memory_space<vmem>>, vector<1x128xf32>
    %add3A = vector.broadcast %get3A_10 : vector<1x128xf32> to vector<1000x128xf32>
    %add3A_11 = arith.addf %dot_general3A_7, %add3A : vector<1000x128xf32>
    %get3A_12 = arith.constant 0 : index
    %get3A_13 = arith.constant 0 : index
    %get3A_14 = arith.constant 0 : index
    %get3A_15 = vector.load %arg3[%get3A_12, %get3A_13, %get3A_14] : memref<1x1000x128xf32, #tpu.memory_space<vmem>>, vector<1x1000x128xf32>
    %get3A_16 = vector.shape_cast %get3A_15 : vector<1x1000x128xf32> to vector<1000x128xf32>
    %get3A_17 = arith.constant 0 : index
    %get3A_18 = arith.constant 0 : index
    %get3A_19 = vector.load %arg7[%get3A_17, %get3A_18] : memref<128x128xf32, #tpu.memory_space<vmem>>, vector<128x128xf32>
    %dot_general3A_20 = arith.constant dense<0.000000e+00> : vector<1000x128xf32>
    %dot_general3A_21 = tpu.matmul %get3A_16, %get3A_19, %dot_general3A_20 {dimension_numbers = #tpu.dot_dimension_numbers<[1], [0], [0], [1], [0, 0, 1, 1], [], []>, transpose_lhs_hint = false} : vector<1000x128xf32>, vector<128x128xf32>, vector<1000x128xf32> -> vector<1000x128xf32>
    %get3A_22 = arith.constant 0 : index
    %get3A_23 = arith.constant 0 : index
    %get3A_24 = vector.load %arg8[%get3A_22, %get3A_23] : memref<1x128xf32, #tpu.memory_space<vmem>>, vector<1x128xf32>
    %add3A_25 = vector.broadcast %get3A_24 : vector<1x128xf32> to vector<1000x128xf32>
    %add3A_26 = arith.addf %dot_general3A_21, %add3A_25 : vector<1000x128xf32>
    %get3A_27 = arith.constant 0 : index
    %get3A_28 = arith.constant 0 : index
    %get3A_29 = arith.constant 0 : index
    %get3A_30 = vector.load %arg4[%get3A_27, %get3A_28, %get3A_29] : memref<1x1000x128xf32, #tpu.memory_space<vmem>>, vector<1x1000x128xf32>
    %get3A_31 = vector.shape_cast %get3A_30 : vector<1x1000x128xf32> to vector<1000x128xf32>
    %get3A_32 = arith.constant 0 : index
    %get3A_33 = arith.constant 0 : index
    %get3A_34 = vector.load %arg9[%get3A_32, %get3A_33] : memref<128x128xf32, #tpu.memory_space<vmem>>, vector<128x128xf32>
    %dot_general3A_35 = arith.constant dense<0.000000e+00> : vector<1000x128xf32>
    %dot_general3A_36 = tpu.matmul %get3A_31, %get3A_34, %dot_general3A_35 {dimension_numbers = #tpu.dot_dimension_numbers<[1], [0], [0], [1], [0, 0, 1, 1], [], []>, transpose_lhs_hint = false} : vector<1000x128xf32>, vector<128x128xf32>, vector<1000x128xf32> -> vector<1000x128xf32>
    %get3A_37 = arith.constant 0 : index
    %get3A_38 = arith.constant 0 : index
    %get3A_39 = vector.load %arg10[%get3A_37, %get3A_38] : memref<1x128xf32, #tpu.memory_space<vmem>>, vector<1x128xf32>
    %add3A_40 = vector.broadcast %get3A_39 : vector<1x128xf32> to vector<1000x128xf32>
    %add3A_41 = arith.addf %dot_general3A_36, %add3A_40 : vector<1000x128xf32>
    %concatenate3A = tpu.concatenate %add3A_11, %add3A_26, %add3A_41 in 1 : vector<1000x128xf32>, vector<1000x128xf32>, vector<1000x128xf32> -> vector<1000x384xf32>
    %logistic3A = arith.negf %concatenate3A : vector<1000x384xf32>
    %logistic3A_42 = math.exp %logistic3A : vector<1000x384xf32>
    %logistic3A_43 = arith.constant 1.000000e+00 : f32
    %logistic3A_44 = vector.broadcast %logistic3A_43 : f32 to vector<1000x384xf32>
    %logistic3A_45 = arith.addf %logistic3A_44, %logistic3A_42 : vector<1000x384xf32>
    %logistic3A_46 = arith.divf %logistic3A_44, %logistic3A_45 : vector<1000x384xf32>
    %mul3A = arith.mulf %concatenate3A, %logistic3A_46 : vector<1000x384xf32>
    %reduce_sum3A = arith.constant dense<0.000000e+00> : vector<1000xf32>
    %reduce_sum3A_47 = vector.multi_reduction <add>, %mul3A, %reduce_sum3A [1] : vector<1000x384xf32> to vector<1000xf32>
    %broadcast_in_dim3A = vector.shape_cast %reduce_sum3A_47 : vector<1000xf32> to vector<1000x1xf32>
    %div3A = arith.constant 3.840000e+02 : f32
    %div3A_48 = vector.broadcast %div3A : f32 to vector<1000x1xf32>
    %div3A_49 = arith.divf %broadcast_in_dim3A, %div3A_48 : vector<1000x1xf32>
    %sub3A = vector.broadcast %div3A_49 : vector<1000x1xf32> to vector<1000x384xf32>
    %sub3A_50 = arith.subf %mul3A, %sub3A : vector<1000x384xf32>
    %integer_pow3A = arith.mulf %sub3A_50, %sub3A_50 : vector<1000x384xf32>
    %reduce_sum3A_51 = arith.constant dense<0.000000e+00> : vector<1000xf32>
    %reduce_sum3A_52 = vector.multi_reduction <add>, %integer_pow3A, %reduce_sum3A_51 [1] : vector<1000x384xf32> to vector<1000xf32>
    %broadcast_in_dim3A_53 = vector.shape_cast %reduce_sum3A_52 : vector<1000xf32> to vector<1000x1xf32>
    %div3A_54 = arith.constant 3.840000e+02 : f32
    %div3A_55 = vector.broadcast %div3A_54 : f32 to vector<1000x1xf32>
    %div3A_56 = arith.divf %broadcast_in_dim3A_53, %div3A_55 : vector<1000x1xf32>
    %sub3A_57 = vector.broadcast %div3A_49 : vector<1000x1xf32> to vector<1000x384xf32>
    %sub3A_58 = arith.subf %mul3A, %sub3A_57 : vector<1000x384xf32>
    %add3A_59 = arith.constant 9.99999974E-6 : f32
    %add3A_60 = vector.broadcast %add3A_59 : f32 to vector<1000x1xf32>
    %add3A_61 = arith.addf %div3A_56, %add3A_60 : vector<1000x1xf32>
    %rsqrt3A = math.rsqrt %add3A_61 : vector<1000x1xf32>
    %mul3A_62 = vector.broadcast %rsqrt3A : vector<1000x1xf32> to vector<1000x384xf32>
    %mul3A_63 = arith.mulf %sub3A_58, %mul3A_62 : vector<1000x384xf32>
    %get3A_64 = arith.constant 0 : index
    %get3A_65 = arith.constant 0 : index
    %get3A_66 = vector.load %arg11[%get3A_64, %get3A_65] : memref<1x384xf32, #tpu.memory_space<vmem>>, vector<1x384xf32>
    %mul3A_67 = vector.broadcast %get3A_66 : vector<1x384xf32> to vector<1000x384xf32>
    %mul3A_68 = arith.mulf %mul3A_63, %mul3A_67 : vector<1000x384xf32>
    %get3A_69 = arith.constant 0 : index
    %get3A_70 = arith.constant 0 : index
    %get3A_71 = vector.load %arg12[%get3A_69, %get3A_70] : memref<1x384xf32, #tpu.memory_space<vmem>>, vector<1x384xf32>
    %add3A_72 = vector.broadcast %get3A_71 : vector<1x384xf32> to vector<1000x384xf32>
    %add3A_73 = arith.addf %mul3A_68, %add3A_72 : vector<1000x384xf32>
    %get3A_74 = arith.constant 0 : index
    %get3A_75 = arith.constant 0 : index
    %get3A_76 = vector.load %arg13[%get3A_74, %get3A_75] : memref<384x128xf32, #tpu.memory_space<vmem>>, vector<384x128xf32>
    %dot_general3A_77 = arith.constant dense<0.000000e+00> : vector<1000x128xf32>
    %dot_general3A_78 = tpu.matmul %add3A_73, %get3A_76, %dot_general3A_77 {dimension_numbers = #tpu.dot_dimension_numbers<[1], [0], [0], [1], [0, 0, 1, 1], [], []>, transpose_lhs_hint = false} : vector<1000x384xf32>, vector<384x128xf32>, vector<1000x128xf32> -> vector<1000x128xf32>
    %get3A_79 = arith.constant 0 : index
    %get3A_80 = arith.constant 0 : index
    %get3A_81 = vector.load %arg14[%get3A_79, %get3A_80] : memref<1x128xf32, #tpu.memory_space<vmem>>, vector<1x128xf32>
    %add3A_82 = vector.broadcast %get3A_81 : vector<1x128xf32> to vector<1000x128xf32>
    %add3A_83 = arith.addf %dot_general3A_78, %add3A_82 : vector<1000x128xf32>
    %logistic3A_84 = arith.negf %add3A_83 : vector<1000x128xf32>
    %logistic3A_85 = math.exp %logistic3A_84 : vector<1000x128xf32>
    %logistic3A_86 = arith.constant 1.000000e+00 : f32
    %logistic3A_87 = vector.broadcast %logistic3A_86 : f32 to vector<1000x128xf32>
    %logistic3A_88 = arith.addf %logistic3A_87, %logistic3A_85 : vector<1000x128xf32>
    %logistic3A_89 = arith.divf %logistic3A_87, %logistic3A_88 : vector<1000x128xf32>
    %mul3A_90 = arith.mulf %add3A_83, %logistic3A_89 : vector<1000x128xf32>
    %reduce_sum3A_91 = arith.constant dense<0.000000e+00> : vector<1000xf32>
    %reduce_sum3A_92 = vector.multi_reduction <add>, %mul3A_90, %reduce_sum3A_91 [1] : vector<1000x128xf32> to vector<1000xf32>
    %broadcast_in_dim3A_93 = vector.shape_cast %reduce_sum3A_92 : vector<1000xf32> to vector<1000x1xf32>
    %div3A_94 = arith.constant 1.280000e+02 : f32
    %div3A_95 = vector.broadcast %div3A_94 : f32 to vector<1000x1xf32>
    %div3A_96 = arith.divf %broadcast_in_dim3A_93, %div3A_95 : vector<1000x1xf32>
    %sub3A_97 = vector.broadcast %div3A_96 : vector<1000x1xf32> to vector<1000x128xf32>
    %sub3A_98 = arith.subf %mul3A_90, %sub3A_97 : vector<1000x128xf32>
    %integer_pow3A_99 = arith.mulf %sub3A_98, %sub3A_98 : vector<1000x128xf32>
    %reduce_sum3A_100 = arith.constant dense<0.000000e+00> : vector<1000xf32>
    %reduce_sum3A_101 = vector.multi_reduction <add>, %integer_pow3A_99, %reduce_sum3A_100 [1] : vector<1000x128xf32> to vector<1000xf32>
    %broadcast_in_dim3A_102 = vector.shape_cast %reduce_sum3A_101 : vector<1000xf32> to vector<1000x1xf32>
    %div3A_103 = arith.constant 1.280000e+02 : f32
    %div3A_104 = vector.broadcast %div3A_103 : f32 to vector<1000x1xf32>
    %div3A_105 = arith.divf %broadcast_in_dim3A_102, %div3A_104 : vector<1000x1xf32>
    %sub3A_106 = vector.broadcast %div3A_96 : vector<1000x1xf32> to vector<1000x128xf32>
    %sub3A_107 = arith.subf %mul3A_90, %sub3A_106 : vector<1000x128xf32>
    %add3A_108 = arith.constant 9.99999974E-6 : f32
    %add3A_109 = vector.broadcast %add3A_108 : f32 to vector<1000x1xf32>
    %add3A_110 = arith.addf %div3A_105, %add3A_109 : vector<1000x1xf32>
    %rsqrt3A_111 = math.rsqrt %add3A_110 : vector<1000x1xf32>
    %mul3A_112 = vector.broadcast %rsqrt3A_111 : vector<1000x1xf32> to vector<1000x128xf32>
    %mul3A_113 = arith.mulf %sub3A_107, %mul3A_112 : vector<1000x128xf32>
    %get3A_114 = arith.constant 0 : index
    %get3A_115 = arith.constant 0 : index
    %get3A_116 = vector.load %arg15[%get3A_114, %get3A_115] : memref<1x128xf32, #tpu.memory_space<vmem>>, vector<1x128xf32>
    %mul3A_117 = vector.broadcast %get3A_116 : vector<1x128xf32> to vector<1000x128xf32>
    %mul3A_118 = arith.mulf %mul3A_113, %mul3A_117 : vector<1000x128xf32>
    %get3A_119 = arith.constant 0 : index
    %get3A_120 = arith.constant 0 : index
    %get3A_121 = vector.load %arg16[%get3A_119, %get3A_120] : memref<1x128xf32, #tpu.memory_space<vmem>>, vector<1x128xf32>
    %add3A_122 = vector.broadcast %get3A_121 : vector<1x128xf32> to vector<1000x128xf32>
    %add3A_123 = arith.addf %mul3A_118, %add3A_122 : vector<1000x128xf32>
    %swap3A = arith.constant 0 : index
    %swap3A_124 = arith.constant 0 : index
    %swap3A_125 = arith.constant 0 : index
    %swap3A_126 = vector.load %arg17[%swap3A, %swap3A_124, %swap3A_125] : memref<1x1000x128xf32, #tpu.memory_space<vmem>>, vector<1x1000x128xf32>
    %swap3A_127 = vector.shape_cast %swap3A_126 : vector<1x1000x128xf32> to vector<1000x128xf32>
    %swap3A_128 = vector.shape_cast %add3A_123 : vector<1000x128xf32> to vector<1x1000x128xf32>
    tpu.vector_store %arg17[%swap3A, %swap3A_124, %swap3A_125], %swap3A_128 {strides = array<i32>} : memref<1x1000x128xf32, #tpu.memory_space<vmem>>, vector<1x1000x128xf32>,
    return
  }
  func.func @transform_0(%arg0: i32, %arg1: i32) -> (i32, i32, i32) {
    %c0_i32 = arith.constant 0 : i32
    %c0_i32_0 = arith.constant 0 : i32
    return %arg0, %arg1, %c0_i32 : i32, i32, i32
  }
  func.func @transform_1(%arg0: i32, %arg1: i32) -> (i32, i32, i32) {
    %c0_i32 = arith.constant 0 : i32
    %c0_i32_0 = arith.constant 0 : i32
    return %arg0, %arg1, %c0_i32 : i32, i32, i32
  }
  func.func @transform_2(%arg0: i32, %arg1: i32) -> (i32, i32, i32) {
    %c0_i32 = arith.constant 0 : i32
    %c0_i32_0 = arith.constant 0 : i32
    return %arg0, %arg1, %c0_i32 : i32, i32, i32
  }
  func.func @transform_3(%arg0: i32, %arg1: i32) -> (i32, i32) {
    %c0_i32 = arith.constant 0 : i32
    %c0_i32_0 = arith.constant 0 : i32
    %c0_i32_1 = arith.constant 0 : i32
    return %c0_i32, %c0_i32_0 : i32, i32
  }
  func.func @transform_4(%arg0: i32, %arg1: i32) -> (i32, i32) {
    %c0_i32 = arith.constant 0 : i32
    %c0_i32_0 = arith.constant 0 : i32
    %c0_i32_1 = arith.constant 0 : i32
    return %c0_i32, %c0_i32_0 : i32, i32
  }
  func.func @transform_5(%arg0: i32, %arg1: i32) -> (i32, i32) {
    %c0_i32 = arith.constant 0 : i32
    %c0_i32_0 = arith.constant 0 : i32
    %c0_i32_1 = arith.constant 0 : i32
    return %c0_i32, %c0_i32_0 : i32, i32
  }
  func.func @transform_6(%arg0: i32, %arg1: i32) -> (i32, i32) {
    %c0_i32 = arith.constant 0 : i32
    %c0_i32_0 = arith.constant 0 : i32
    %c0_i32_1 = arith.constant 0 : i32
    return %c0_i32, %c0_i32_0 : i32, i32
  }
  func.func @transform_7(%arg0: i32, %arg1: i32) -> (i32, i32) {
    %c0_i32 = arith.constant 0 : i32
    %c0_i32_0 = arith.constant 0 : i32
    %c0_i32_1 = arith.constant 0 : i32
    return %c0_i32, %c0_i32_0 : i32, i32
  }
  func.func @transform_8(%arg0: i32, %arg1: i32) -> (i32, i32) {
    %c0_i32 = arith.constant 0 : i32
    %c0_i32_0 = arith.constant 0 : i32
    %c0_i32_1 = arith.constant 0 : i32
    return %c0_i32, %c0_i32_0 : i32, i32
  }
  func.func @transform_9(%arg0: i32, %arg1: i32) -> (i32, i32) {
    %c0_i32 = arith.constant 0 : i32
    %c0_i32_0 = arith.constant 0 : i32
    %c0_i32_1 = arith.constant 0 : i32
    return %c0_i32, %c0_i32_0 : i32, i32
  }
  func.func @transform_10(%arg0: i32, %arg1: i32) -> (i32, i32) {
    %c0_i32 = arith.constant 0 : i32
    %c0_i32_0 = arith.constant 0 : i32
    %c0_i32_1 = arith.constant 0 : i32
    return %c0_i32, %c0_i32_0 : i32, i32
  }
  func.func @transform_11(%arg0: i32, %arg1: i32) -> (i32, i32) {
    %c0_i32 = arith.constant 0 : i32
    %c0_i32_0 = arith.constant 0 : i32
    %c0_i32_1 = arith.constant 0 : i32
    return %c0_i32, %c0_i32_0 : i32, i32
  }
  func.func @transform_12(%arg0: i32, %arg1: i32) -> (i32, i32) {
    %c0_i32 = arith.constant 0 : i32
    %c0_i32_0 = arith.constant 0 : i32
    %c0_i32_1 = arith.constant 0 : i32
    return %c0_i32, %c0_i32_0 : i32, i32
  }
  func.func @transform_13(%arg0: i32, %arg1: i32) -> (i32, i32) {
    %c0_i32 = arith.constant 0 : i32
    %c0_i32_0 = arith.constant 0 : i32
    %c0_i32_1 = arith.constant 0 : i32
    return %c0_i32, %c0_i32_0 : i32, i32
  }
  func.func @transform_14(%arg0: i32, %arg1: i32) -> (i32, i32) {
    %c0_i32 = arith.constant 0 : i32
    %c0_i32_0 = arith.constant 0 : i32
    %c0_i32_1 = arith.constant 0 : i32
    return %c0_i32, %c0_i32_0 : i32, i32
  }
  func.func @transform_15(%arg0: i32, %arg1: i32) -> (i32, i32, i32) {
    %c0_i32 = arith.constant 0 : i32
    %c0_i32_0 = arith.constant 0 : i32
    return %arg0, %arg1, %c0_i32 : i32, i32, i32
  }
}

</mosaic_0001>

<sc_bundles>
// kernel: kernel.4.cloned.1.call-start
scs
__scs_entry_jumppad:
0x0: {  	(pc) =	sbr.rel $0x88, $3  }
0x1: {  	(tag) =	ssettag $0x0;
	lr =	simm.s32 $0x1  }
0x2: {  	[smem:$0x3F93] =	sst lr;
	_ =	strace $0xD0000000  }
0x3: {  	_ = 	snop  }
0x4: {  	_ = 	snop  }
0x5: {  	_ = 	snop  }
0x6: {  	_ = 	snop  }
0x7: {  	_ = 	snop  }
__scs_overlays_trampoline_lowered:
0x8: {  	[smem:$0x3FA2] =	sst s0  }
0x9: {  	[smem:$0x3FA3] =	sst s1  }
0xa: {  	[smem:$0x3FA4] =	sst s2  }
0xb: {  	[smem:$0x3FA5] =	sst s3  }
0xc: {  	[smem:$0x3FA6] =	sst s4  }
0xd: {  	[smem:$0x3FA7] =	sst s5  }
0xe: {  	[smem:$0x3FA8] =	sst s6  }
0xf: {  	[smem:$0x3FA9] =	sst s7  }
0x10: {  	[smem:$0x3FAA] =	sst s8  }
0x11: {  	[smem:$0x3FAB] =	sst s9;
	s0 =	simm.s32 @!p0 $0x0  }
0x12: {  	s1 =	sld [smem:$0x3F91];
	s0 =	simm.s32 @p0 $0x1  }
0x13: {  	[smem:$0x3FAC] =	sst s0;
	s0 =	simm.s32 @!p1 $0x0  }
0x14: {  	s2 =	sld [smem:$0x3F90];
	s0 =	simm.s32 @p1 $0x1  }
0x15: {  	[smem:$0x3FAD] =	sst s0;
	s0 =	simm.s32 @!p2 $0x0  }
0x16: {  	s3 =	sld [smem:$0x3FDB];
	s0 =	simm.s32 @p2 $0x1  }
0x17: {  	s4 =	simm.s32 $0x1BF5;
	[smem:$0x3FAF] =	sst s0  }
0x18: {  	s0 =	sld [smem:$0x3F92];
	_ =	swait.ge [sflag:s4], $0x0  }
0x19: {  	s7 =	sld [smem:$0x3F93]  }
0x1a: {  	s8 =	sadd.s32 $0xFFFFE003, lr  }
0x1b: {  	s9 =	sadd.s32 $0xFFFFFEF7, lr;
	s5 =	simm.s32 $0xFFFFFFFF;
	p2 =	slt.u32 s8, $0xFFFFF086  }
0x1c: {  	p1 =	slt.u32 s9, $0xF7A;
	s5 =	simm.s32 @!p2 $0x0  }
0x1d: {  	s5 =	simm.s32 @p1 $0x1;
	p0 =	seq.s32 s7, s2  }
0x1e: {  	s7 =	smul.u32 @!p0 $0xF7A, s2;
	p2 =	seq.s32 @!p0 s5, $0x0  }
0x1f: {  	s9 =	smul.u32 $0xF7A, s1;
	s8 =	simm.s32 @!p0 $0x1BF5;
	p2 =	por !p2, p0  }
0x20: {  	[sflag:s8] =	ssyncset.s32 @!p0 $0xFFFFF086;
	s6 =	sadd.s32 @!p0 s3, s7;
	s7 =	simm.s32 @!p0 $0x108  }
0x21: {  	s3 =	sadd.s32 s3, s9;
	s6 =	sadd.s32 @!p0 $0x88, s6;
	s7 =	simm.s32 @p2 $0x1082  }
0x22: {  	[simem:s7], [sflag:s8] =	dma.local @!p0 [hbm:s6], $0xF7A  }
0x23: {  	s9 =	sor.u32 $0xD0000000, s2;
	s6 =	simm.s32 $0x108;
	_ =	swait.ge @!p0 [sflag:s8], $0x0  }
0x24: {  	s3 =	sadd.s32 $0x88, s3;
	s6 =	simm.s32 @!p1 $0x1082;
	[sflag:s4] =	ssyncset.s32 $0xFFFFF086  }
0x25: {  	[simem:s6], [sflag:s4] =	dma.local [hbm:s3], $0xF7A  }
0x26: {  	[smem:$0x3F93] =	sst s1;
	(tag) =	ssettag s2;
	_ =	strace s9  }
0x27: {  	s1 =	sld [smem:$0x3FA3]  }
0x28: {  	s2 =	sld [smem:$0x3FA4]  }
0x29: {  	s4 =	sld [smem:$0x3FA6]  }
0x2a: {  	p0 =	seq.s32 s5, $0x0;
	s5 =	sld [smem:$0x3FA7]  }
0x2b: {  	s6 =	sld [smem:$0x3FA8]  }
0x2c: {  	s7 =	sld [smem:$0x3FA9]  }
0x2d: {  	s3 =	simm.s32 $0x108;
	s8 =	sld [smem:$0x3FAA]  }
0x2e: {  	s3 =	simm.s32 @!p0 $0x1082;
	s9 =	sld [smem:$0x3FAB]  }
0x2f: {  	lr =	sadd.s32 s0, s3;
	s0 =	sld [smem:$0x3FA2]  }
0x30: {  	s3 =	sld [smem:$0x3FA5]  }
0x31: {  	[smem:$0x3FAE] =	sst s10  }
0x32: {  	s10 =	sld [smem:$0x3FAC];
	_ =	sdelay $0x3  }
0x33: {  	p0 =	seq.s32 s10, $0x1;
	s10 =	sld [smem:$0x3FAE];
	_ =	sdelay $0x3  }
0x34: {  	[smem:$0x3FAE] =	sst s10  }
0x35: {  	s10 =	sld [smem:$0x3FAD];
	_ =	sdelay $0x3  }
0x36: {  	p1 =	seq.s32 s10, $0x1;
	s10 =	sld [smem:$0x3FAE];
	_ =	sdelay $0x3  }
0x37: {  	[smem:$0x3FAE] =	sst s10  }
0x38: {  	s10 =	sld [smem:$0x3FAF]  }
0x39: {  	_ = 	snop;
	(pc) =	sbr.ind lr, $3  }
0x3a: {  	_ = 	snop  }
0x3b: {  	_ = 	snop  }
0x3c: {  	p2 =	seq.s32 s10, $0x1;
	s10 =	sld [smem:$0x3FAE]  }
0x3d: {  	_ =	shalt  }
0x3e: {  	_ =	shalt  }
0x3f: {  	_ =	shalt  }
0x40: {  	_ =	shalt  }
0x41: {  	_ =	shalt  }
0x42: {  	_ =	shalt  }
0x43: {  	_ =	shalt  }
0x44: {  	_ =	shalt  }
0x45: {  	_ =	shalt  }
0x46: {  	_ =	shalt  }
0x47: {  	_ =	shalt  }
0x48: {  	_ =	shalt  }
0x49: {  	_ =	shalt  }
0x4a: {  	_ =	shalt  }
0x4b: {  	_ =	shalt  }
0x4c: {  	_ =	shalt  }
0x4d: {  	_ =	shalt  }
0x4e: {  	_ =	shalt  }
0x4f: {  	_ =	shalt  }
0x50: {  	_ =	shalt  }
0x51: {  	_ =	shalt  }
0x52: {  	_ =	shalt  }
0x53: {  	_ =	shalt  }
0x54: {  	_ =	shalt  }
0x55: {  	_ =	shalt  }
0x56: {  	_ =	shalt  }
0x57: {  	_ =	shalt  }
0x58: {  	_ =	shalt  }
0x59: {  	_ =	shalt  }
0x5a: {  	_ =	shalt  }
0x5b: {  	_ =	shalt  }
0x5c: {  	_ =	shalt  }
0x5d: {  	_ =	shalt  }
0x5e: {  	_ =	shalt  }
0x5f: {  	_ =	shalt  }
0x60: {  	_ =	shalt  }
0x61: {  	_ =	shalt  }
0x62: {  	_ =	shalt  }
0x63: {  	_ =	shalt  }
0x64: {  	_ =	shalt  }
0x65: {  	_ =	shalt  }
0x66: {  	_ =	shalt  }
0x67: {  	_ =	shalt  }
0x68: {  	_ =	shalt  }
0x69: {  	_ =	shalt  }
0x6a: {  	_ =	shalt  }
0x6b: {  	_ =	shalt  }
0x6c: {  	_ =	shalt  }
0x6d: {  	_ =	shalt  }
0x6e: {  	_ =	shalt  }
0x6f: {  	_ =	shalt  }
0x70: {  	_ =	shalt  }
0x71: {  	_ =	shalt  }
0x72: {  	_ =	shalt  }
0x73: {  	_ =	shalt  }
0x74: {  	_ =	shalt  }
0x75: {  	_ =	shalt  }
0x76: {  	_ =	shalt  }
0x77: {  	_ =	shalt  }
0x78: {  	_ =	shalt  }
0x79: {  	_ =	shalt  }
0x7a: {  	_ =	shalt  }
0x7b: {  	_ =	shalt  }
0x7c: {  	_ =	shalt  }
0x7d: {  	_ =	shalt  }
0x7e: {  	_ =	shalt  }
0x7f: {  	_ =	shalt  }
0x80: {  	_ =	shalt  }
0x81: {  	_ =	shalt  }
0x82: {  	_ =	shalt  }
0x83: {  	_ =	shalt  }
0x84: {  	_ =	shalt  }
0x85: {  	_ =	shalt  }
0x86: {  	_ =	shalt  }
0x87: {  	_ =	shalt  }
.Lfunc_end0:
.L_simem_size_0:
called_computation_lowered:
.L_overlay_start_0:
0x88: {  	s2 =	sld [smem:$0x3FD9]  }
0x89: {  	s3 =	sld [smem:$0x3FFE];
	_ =	sdelay $0x1  }
0x8a: {  	s1 =	srdreg.scid  }
0x8b: {  	s0 =	sand.u32 $0x1, s1  }
0x8c: {  	s17 =	sshll.u32 s0, $0xA;
	s2 =	sadd.s32 s3, s2  }
0x8d: {  	s2 =	sadd.s32 s2, s17  }
0x8e: {  	[smem:$0x3FBA] =	sst s2  }
0x8f: {  	_ = 	snop  }
0x90: {  	s2 =	sld [smem:$0x3FC9]  }
0x91: {  	s18 =	sld [smem:$0x3FD0];
	(tm) =	ssettm $0x1  }
0x92: {  	s4 =	sld [smem:$0x3FFB];
	_ =	sdelay $0x3  }
0x93: {  	_ =	strace s4  }
0x94: {  	s4 =	sld [smem:$0x3FFC];
	_ =	sdelay $0x3  }
0x95: {  	_ =	strace s4  }
0x96: {  	s4 =	sld [smem:$0x3FFD];
	_ =	sdelay $0x3  }
0x97: {  	_ =	strace s4  }
0x98: {  	_ =	strace $0x8FFFFFFF  }
0x99: {  	s19 =	sld [smem:$0x3FDB];
	_ =	sdelay $0x1  }
0x9a: {  	s5 =	simm.s32 $_scs_section_size  }
0x9b: {  	s6 =	simm.s32 $_size__tile_overlayer_lowered;
	s7 =	simm.s32 $_tile_overlayer_lowered  }
0x9c: {  	s22 =	simm.s32 $0x1BFF;
	s21 =	sshll.u32 s7, $0x1;
	s4 =	sadd.s32 s5, s19  }
0x9d: {  	s8 =	simm.s32 $0x0;
	s20 =	sshll.u32 s6, $0x1;
	s6 =	sadd.s32 s21, s4  }
0x9e: {  	[timem:s8], [sflag:s22] =	dma.local [hbm:s6], s20  }
0x9f: {  	_ =	swait.ge [sflag:s22], s20  }
0xa0: {  	s5 =	ssub.s32 $0x0, s20;
	[sflag:s22] =	ssyncset.done $0x0  }
0xa1: {  	[sflag:s22] =	ssyncadd.s32 s5;
	_ =	sdelay $0x1  }
0xa2: {  	s23 =	simm.s32 $0x1B8B  }
0xa3: {  	_ =	swait.ge [sflag:s23], $0x1  }
0xa4: {  	[sflag:s23] =	ssyncset.done $0x0  }
0xa5: {  	s25 =	simm.s32 $0x1B8E;
	s24 =	sld [smem:$0x3FFE];
	[sflag:s23] =	ssyncadd.s32 $0xFFFFFFFF  }
0xa6: {  	s26 =	simm.s32 $execute0_lowered;
	[smem:$0x3FD2] =	sst s25  }
0xa7: {  	s6 =	sshll.u32 s26, $0x1;
	_ =	strace $0x80000046;
	[dreg:$0x1] =	wrdreg $0xFFFFFFFF  }
0xa8: {  	s28 =	simm.s32 $_size_execute0_lowered;
	s4 =	sadd.s32 s4, s6;
	[dreg:$0x0] =	wrdreg $0x0  }
0xa9: {  	s6 =	sshll.u32 s28, $0x1;
	[dreg:$0x2] =	wrdreg s4  }
0xaa: {  	[dreg:$0x3] =	wrdreg s6  }
0xab: {  	[dreg:$0x4] =	wrdreg $0xC0  }
0xac: {  	_ =	task [dreg:s8], $0x5FFFF  }
0xad: {  	[dreg:$0x1] =	wrdreg $0xFFFFFFFF  }
0xae: {  	[dreg:$0x0] =	wrdreg $0x60  }
0xaf: {  	[dreg:$0x2] =	wrdreg s2  }
0xb0: {  	[dreg:$0x3] =	wrdreg s18  }
0xb1: {  	[dreg:$0x4] =	wrdreg s24  }
0xb2: {  	[dreg:$0x5] =	wrdreg $0x0  }
0xb3: {  	[dreg:$0x6] =	wrdreg $0x9  }
0xb4: {  	_ =	task.clear_ibuf [dreg:s8], $0x7FFFF;
	_ =	strace $0x90000046  }
0xb5: {  	s29 =	simm.s32 $0x9;
	_ =	strace $0x80000048  }
0xb6: {  	_ =	swait.ge [sflag:s29], $0x1  }
0xb7: {  	[sflag:s29] =	ssyncadd.s32 $0xFFFFFFFF  }
0xb8: {  	_ =	strace $0x90000048  }
0xb9: {  	_ =	sfence  }
0xba: {  	s30 =	sld [smem:$0x0];
	_ =	sdelay $0x2  }
0xbb: {  	s31 =	sshll.u32 s1, $0xD;
	s1 =	sshrl.u32 s1, $0x2  }
0xbc: {  	s3 =	sand.u32 $0x4000, s31;
	s1 =	sadd.s32 s1, s30  }
0xbd: {  	s0 =	sor.u32 s3, s0;
	s1 =	sshll.u32 s1, $0x11  }
0xbe: {  	s0 =	sor.u32 s1, s0  }
0xbf: {  	s0 =	sadd.s32 $0x8F2B, s0  }
0xc0: {  	[sflag:s0] =	ssyncadd.remote.s32 $0x1  }
0xc1: {  	_ =	sfence.sel $0xFFFF  }
0xc2: {  	[dreg:$0x0] =	wrdreg $0xFFFFFFFF;
	(pc) =	sbr.abs _section_cstart, $3  }
0xc3: {  	[dreg:$0x1] =	wrdreg $0xFFFFFFFF  }
0xc4: {  	_ =	task.clear_ibuf [dreg:s8], $0x2FFFF;
	_ =	strace $0x9FFFFFFF  }
0xc5: {  	(tm) =	ssettm $0x7FFFFFFF  }
tec
execute0_lowered:
.L_overlay_start_1:
0x0: {  	(tag) =	ssettag $0x1  }
0x1: {  	s1 =	rddreg [dreg:$0x0]  }
0x2: {  	s3 =	rddreg [dreg:$0x1]  }
0x3: {  	s0 =	rddreg [dreg:$0x2];
	s13 =	stileid.u32  }
0x4: {  	s4 =	rddreg [dreg:$0x3];
	s2 =	smul.u32 $0x14000, s13  }
0x5: {  	s6 =	srdreg.scid;
	s5 =	simm.s32 $0x0;
	s10 =	smul.u32 $0x50000, s13  }
0x6: {  	s20 =	simm.s32 $0x2;
	s7 =	sand.u32 $0x1, s6;
	s24 =	smul.u32 $0x5000, s13  }
0x7: {  	s21 =	simm.s32 $0x14000;
	[smem:$0x7FF] =	sst s5;
	s9 =	smul.u32 $0x500000, s7  }
0x8: {  	s6 =	sadd.s32 $0x3600, s0;
	s26 =	sshll.u32 s13, $0x6;
	s12 =	smul.u32 $0x140000, s7  }
0x9: {  	_ =	strace $0x80000047;
	s22 =	ssub.s32 $0x2, s7;
	s28 =	smul.u32 $0x50000, s7  }
0xa: {  	s8 =	sshrl.u32 s2, $0x3;
	s11 =	sshrl.u32 s22, $0x1;
	s25 =	sshrl.u32 s10, $0x2  }
0xb: {  	s8 =	sadd.s32 s8, s0;
	s2 =	sadd.s32 s2, s9;
	s23 =	ssub.s32 s22, s11  }
0xc: {  	s15 =	sadd.s32 s25, s4;
	s9 =	sadd.s32 s12, s24;
	s10 =	sadd.s32 s28, s24  }
0xd: {  	s22 =	simm.s32 $0x80;
	s24 =	simm.s32 $0x14080;
	s25 =	simm.s32 $0x1A000  }
0xe: {  	s2 =	sshrl.u32 s2, $0x3;
	s7 =	sadd.s32 $0x17600, s8;
	s8 =	sor.u32 $0x1C02, s26  }
0xf: {  	s12 =	sadd.s32 $0x50000, s9;
	s14 =	sadd.s32 $0xA0000, s9;
	s0 =	sadd.s32 s2, s0  }
0x10: {  	s16 =	sadd.s32 $0xF0000, s9;
	s18 =	smax.u32 s23, $0x1;
	s29 =	sadd.s32 $0x3F600, s0  }
0x11: {  	s19 =	sshrl.u32 s15, $0x3;
	s30 =	sadd.s32 $0x67600, s0;
	[dreg:$0x5] =	wrdreg s29  }
0x12: {  	s23 =	simm.s32 $0x16000;
	s31 =	sadd.s32 $0x8F600, s0;
	[dreg:$0x6] =	wrdreg s30  }
0x13: {  	s26 =	simm.s32 $0x1;
	s17 =	sadd.s32 $0xB7600, s0;
	[dreg:$0x7] =	wrdreg s31  }
.LBB2_1:
0x14: {  	[spmem:s19], [sflag:s8] =	dma.local [hbm:s7], $0x2800  }
0x15: {  	_ =	swait.ge [sflag:s20], $0x2800  }
0x16: {  	[sflag:s20] =	ssyncset.done $0x0  }
0x17: {  	[sflag:s20] =	ssyncadd.s32 $0xFFFFD800  }
0x18: {  	s28 =	simm.s32 $0x0;
	[bflag:$0x0] =	sbarrier.arrive $0xFFFF  }
.LBB2_2:
0x19: {  	s0 =	sshll.u32 s28, $0xC  }
0x1a: {  	s2 =	sadd.s32 s9, s0  }
0x1b: {  	s2 =	sshrl.u32 s2, $0x3  }
0x1c: {  	s11 =	simm.s32 $0x0;
	s2 =	sadd.s32 s3, s2  }
0x1d: {  	[tilespmem:s21], [sflag:$0x2] =	stream.linear.gather [hbm4b:s2+s11], $0x1000, $0x38;
	[tilespmem:$0x1E000] =	vst v63  }
0x1e: {  	s0 =	sadd.s32 s10, s0;
	_ =	swait.ge [sflag:s20], $0x1000  }
0x1f: {  	s0 =	sshrl.u32 s0, $0x3;
	[sflag:s20] =	ssyncset.done $0x0  }
0x20: {  	s13 =	simm.s32 $0x15000;
	s0 =	sadd.s32 s6, s0;
	[sflag:s20] =	ssyncadd.s32 $0xFFFFF000  }
0x21: {  	[tilespmem:s13], [sflag:$0x2] =	stream.linear.gather [hbm4b:s0+s11], $0x1000, $0x38;
	[tilespmem:$0x1E000] =	vst v63  }
0x22: {  	_ =	swait.ge [sflag:s20], $0x1000  }
0x23: {  	[sflag:s20] =	ssyncset.done $0x0  }
0x24: {  	[sflag:s20] =	ssyncadd.s32 $0xFFFFF000  }
0x25: {  	[tilespmem:s23], [sflag:$0x1] =	stream.indirect.gather [hbm4b:s1+s22], $0x80, s21, s22, $0xb8;
	[tilespmem:$0x1E000] =	vst v63  }
0x26: {  	_ = 	snop  }
0x27: {  	[tilespmem:s25], [sflag:$0x1] =	stream.indirect.gather [hbm4b:s1+s22], $0x80, s24, s22, $0xb8;
	[tilespmem:$0x1E000] =	vst v63  }
0x28: {  	_ =	swait.ge [sflag:s26], $0x4000  }
0x29: {  	s15 =	sand.u32 $0x4000, s11;
	[sflag:s26] =	ssyncset.done $0x0  }
0x2a: {  	s29 =	simm.s32 $0x1;
	s2 =	sadd.s32 $0x16000, s15;
	[sflag:s26] =	ssyncadd.s32 $0xFFFFC000  }
0x2b: {  	[spmem:s4] =	stream.indirect.scatter.add.f32 [tilespmem:s2], [sflag:$0x2], $0x80, s13, s22, $0xb8;
	[tilespmem:$0x1E000] =	vst v63  }
0x2c: {  	s30 =	simm.s32 $0x4000;
	p1 =	por $0x0, $0x0;
	_ =	swait.ge [sflag:s20], $0x4000  }
0x2d: {  	s31 =	simm.s32 $0x15080;
	s11 =	simm.s32 $0x14100;
	[sflag:s20] =	ssyncset.done $0x0  }
0x2e: {  	s0 =	simm.s32 $0x14180;
	s13 =	simm.s32 @!p1 $0x80;
	[sflag:s20] =	ssyncadd.s32 $0xFFFFC000  }
.LBB2_3:
0x2f: {  	[tilespmem:s2], [sflag:$0x1] =	stream.indirect.gather @!p1 [hbm4b:s1+s13], $0x80, s11, s13, $0xb8;
	[tilespmem:$0x1E000] =	vst v63  }
0x30: {  	s13 =	smov.u32 s29;
	s29 =	sadd.s32 $0x1, s29;
	_ =	swait.ge [sflag:s26], $0x4000  }
0x31: {  	s2 =	sand.u32 $0x4000, s30;
	p0 =	sne.s32 s29, $0x20;
	[sflag:s26] =	ssyncset.done $0x0  }
.Ltmp0:
0x32: {  	s2 =	sadd.s32 $0x16000, s2;
	[sflag:s26] =	ssyncadd.s32 $0xFFFFC000;
	(pc) =	sbr.rel @p0 .LBB2_3-.Ltmp0, $4  }
0x33: {  	[spmem:s4] =	stream.indirect.scatter.add.f32 [tilespmem:s2], [sflag:$0x2], $0x80, s31, s22, $0xb8;
	[tilespmem:$0x1E000] =	vst v63  }
0x34: {  	s30 =	sadd.s32 $0x4000, s30;
	s11 =	smov.u32 s0;
	_ =	swait.ge [sflag:s20], $0x4000  }
0x35: {  	p1 =	sgt.u32 s13, $0x1D;
	s31 =	sadd.s32 $0x80, s31;
	[sflag:s20] =	ssyncset.done $0x0  }
0x36: {  	s0 =	sadd.s32 $0x80, s0;
	s13 =	simm.s32 @!p1 $0x80;
	[sflag:s20] =	ssyncadd.s32 $0xFFFFC000  }
0x37: {  	s28 =	sadd.s32 $0x1, s28  }
0x38: {  	p0 =	sne.s32 s28, $0x5  }
.Ltmp1:
0x39: {  	_ = 	snop;
	(pc) =	sbr.rel @p0 .LBB2_2-.Ltmp1, $2  }
0x3a: {  	_ =	sdelay $0x2  }
0x3b: {  	[tilespmem:s2], [sflag:$0x1] =	stream.indirect.gather @!p1 [hbm4b:s1+s13], $0x80, s11, s13, $0xb8;
	[tilespmem:$0x1E000] =	vst v63  }
0x3c: {  	[bflag:$0x0] =	sbarrier.arrive $0xFFFF  }
0x3d: {  	s0 =	rddreg [dreg:$0x5]  }
0x3e: {  	[hbm:s0], [sflag:s8] =	dma.local [spmem:s19], $0x2800  }
0x3f: {  	_ =	swait.ge [sflag:s20], $0x2800  }
0x40: {  	[sflag:s20] =	ssyncset.done $0x0  }
0x41: {  	[sflag:s20] =	ssyncadd.s32 $0xFFFFD800  }
0x42: {  	[bflag:$0x0] =	sbarrier.arrive $0xFFFF  }
0x43: {  	[spmem:s19], [sflag:s8] =	dma.local [hbm:s7], $0x2800  }
0x44: {  	_ =	swait.ge [sflag:s20], $0x2800  }
0x45: {  	[sflag:s20] =	ssyncset.done $0x0  }
0x46: {  	[sflag:s20] =	ssyncadd.s32 $0xFFFFD800  }
0x47: {  	s28 =	simm.s32 $0x0;
	s29 =	simm.s32 $0x0;
	[bflag:$0x0] =	sbarrier.arrive $0xFFFF  }
.LBB2_6:
0x48: {  	s0 =	sshll.u32 s29, $0xC  }
0x49: {  	s2 =	sadd.s32 s12, s0  }
0x4a: {  	s2 =	sshrl.u32 s2, $0x3  }
0x4b: {  	s2 =	sadd.s32 s3, s2  }
0x4c: {  	[tilespmem:s21], [sflag:$0x2] =	stream.linear.gather [hbm4b:s2+s28], $0x1000, $0x38;
	[tilespmem:$0x1E000] =	vst v63  }
0x4d: {  	s0 =	sadd.s32 s10, s0;
	_ =	swait.ge [sflag:s20], $0x1000  }
0x4e: {  	s0 =	sshrl.u32 s0, $0x3;
	[sflag:s20] =	ssyncset.done $0x0  }
0x4f: {  	s11 =	simm.s32 $0x15000;
	s0 =	sadd.s32 s6, s0;
	[sflag:s20] =	ssyncadd.s32 $0xFFFFF000  }
0x50: {  	[tilespmem:s11], [sflag:$0x2] =	stream.linear.gather [hbm4b:s0+s28], $0x1000, $0x38;
	[tilespmem:$0x1E000] =	vst v63  }
0x51: {  	_ =	swait.ge [sflag:s20], $0x1000  }
0x52: {  	[sflag:s20] =	ssyncset.done $0x0  }
0x53: {  	[sflag:s20] =	ssyncadd.s32 $0xFFFFF000  }
0x54: {  	[tilespmem:s23], [sflag:$0x1] =	stream.indirect.gather [hbm4b:s1+s22], $0x80, s21, s22, $0xb8;
	[tilespmem:$0x1E000] =	vst v63  }
0x55: {  	_ = 	snop  }
0x56: {  	[tilespmem:s25], [sflag:$0x1] =	stream.indirect.gather [hbm4b:s1+s22], $0x80, s24, s22, $0xb8;
	[tilespmem:$0x1E000] =	vst v63  }
0x57: {  	_ =	swait.ge [sflag:s26], $0x4000  }
0x58: {  	s15 =	sand.u32 $0x4000, s28;
	[sflag:s26] =	ssyncset.done $0x0  }
0x59: {  	s13 =	simm.s32 $0x14100;
	s0 =	sadd.s32 $0x16000, s15;
	[sflag:s26] =	ssyncadd.s32 $0xFFFFC000  }
0x5a: {  	[spmem:s4] =	stream.indirect.scatter.add.f32 [tilespmem:s0], [sflag:$0x2], $0x80, s11, s22, $0xb8;
	[tilespmem:$0x1E000] =	vst v63  }
0x5b: {  	s30 =	simm.s32 $0x1;
	s31 =	simm.s32 $0x4000;
	_ =	swait.ge [sflag:s20], $0x4000  }
0x5c: {  	p1 =	por $0x0, $0x0;
	s2 =	simm.s32 $0x15080;
	[sflag:s20] =	ssyncset.done $0x0  }
0x5d: {  	s15 =	simm.s32 @!p1 $0x80;
	s11 =	simm.s32 $0x14180;
	[sflag:s20] =	ssyncadd.s32 $0xFFFFC000  }
.LBB2_7:
0x5e: {  	[tilespmem:s0], [sflag:$0x1] =	stream.indirect.gather @!p1 [hbm4b:s1+s15], $0x80, s13, s15, $0xb8;
	[tilespmem:$0x1E000] =	vst v63  }
0x5f: {  	s15 =	smov.u32 s30;
	s30 =	sadd.s32 $0x1, s30;
	_ =	swait.ge [sflag:s26], $0x4000  }
0x60: {  	s0 =	sand.u32 $0x4000, s31;
	p0 =	sne.s32 s30, $0x20;
	[sflag:s26] =	ssyncset.done $0x0  }
.Ltmp2:
0x61: {  	s0 =	sadd.s32 $0x16000, s0;
	[sflag:s26] =	ssyncadd.s32 $0xFFFFC000;
	(pc) =	sbr.rel @p0 .LBB2_7-.Ltmp2, $4  }
0x62: {  	[spmem:s4] =	stream.indirect.scatter.add.f32 [tilespmem:s0], [sflag:$0x2], $0x80, s2, s22, $0xb8;
	[tilespmem:$0x1E000] =	vst v63  }
0x63: {  	s31 =	sadd.s32 $0x4000, s31;
	s13 =	smov.u32 s11;
	_ =	swait.ge [sflag:s20], $0x4000  }
0x64: {  	p1 =	sgt.u32 s15, $0x1D;
	s2 =	sadd.s32 $0x80, s2;
	[sflag:s20] =	ssyncset.done $0x0  }
0x65: {  	s11 =	sadd.s32 $0x80, s11;
	s15 =	simm.s32 @!p1 $0x80;
	[sflag:s20] =	ssyncadd.s32 $0xFFFFC000  }
0x66: {  	s29 =	sadd.s32 $0x1, s29  }
0x67: {  	p0 =	sne.s32 s29, $0x5  }
.Ltmp3:
0x68: {  	_ = 	snop;
	(pc) =	sbr.rel @p0 .LBB2_6-.Ltmp3, $2  }
0x69: {  	_ =	sdelay $0x2  }
0x6a: {  	[tilespmem:s0], [sflag:$0x1] =	stream.indirect.gather @!p1 [hbm4b:s1+s15], $0x80, s13, s15, $0xb8;
	[tilespmem:$0x1E000] =	vst v63  }
0x6b: {  	[bflag:$0x0] =	sbarrier.arrive $0xFFFF  }
0x6c: {  	s0 =	rddreg [dreg:$0x6]  }
0x6d: {  	[hbm:s0], [sflag:s8] =	dma.local [spmem:s19], $0x2800  }
0x6e: {  	_ =	swait.ge [sflag:s20], $0x2800  }
0x6f: {  	[sflag:s20] =	ssyncset.done $0x0  }
0x70: {  	[sflag:s20] =	ssyncadd.s32 $0xFFFFD800  }
0x71: {  	[bflag:$0x0] =	sbarrier.arrive $0xFFFF  }
0x72: {  	[spmem:s19], [sflag:s8] =	dma.local [hbm:s7], $0x2800  }
0x73: {  	_ =	swait.ge [sflag:s20], $0x2800  }
0x74: {  	[sflag:s20] =	ssyncset.done $0x0  }
0x75: {  	[sflag:s20] =	ssyncadd.s32 $0xFFFFD800  }
0x76: {  	s28 =	simm.s32 $0x0;
	s29 =	simm.s32 $0x0;
	[bflag:$0x0] =	sbarrier.arrive $0xFFFF  }
.LBB2_10:
0x77: {  	s0 =	sshll.u32 s29, $0xC  }
0x78: {  	s2 =	sadd.s32 s14, s0  }
0x79: {  	s2 =	sshrl.u32 s2, $0x3  }
0x7a: {  	s2 =	sadd.s32 s3, s2  }
0x7b: {  	[tilespmem:s21], [sflag:$0x2] =	stream.linear.gather [hbm4b:s2+s28], $0x1000, $0x38;
	[tilespmem:$0x1E000] =	vst v63  }
0x7c: {  	s0 =	sadd.s32 s10, s0;
	_ =	swait.ge [sflag:s20], $0x1000  }
0x7d: {  	s0 =	sshrl.u32 s0, $0x3;
	[sflag:s20] =	ssyncset.done $0x0  }
0x7e: {  	s11 =	simm.s32 $0x15000;
	s0 =	sadd.s32 s6, s0;
	[sflag:s20] =	ssyncadd.s32 $0xFFFFF000  }
0x7f: {  	[tilespmem:s11], [sflag:$0x2] =	stream.linear.gather [hbm4b:s0+s28], $0x1000, $0x38;
	[tilespmem:$0x1E000] =	vst v63  }
0x80: {  	_ =	swait.ge [sflag:s20], $0x1000  }
0x81: {  	[sflag:s20] =	ssyncset.done $0x0  }
0x82: {  	[sflag:s20] =	ssyncadd.s32 $0xFFFFF000  }
0x83: {  	[tilespmem:s23], [sflag:$0x1] =	stream.indirect.gather [hbm4b:s1+s22], $0x80, s21, s22, $0xb8;
	[tilespmem:$0x1E000] =	vst v63  }
0x84: {  	_ = 	snop  }
0x85: {  	[tilespmem:s25], [sflag:$0x1] =	stream.indirect.gather [hbm4b:s1+s22], $0x80, s24, s22, $0xb8;
	[tilespmem:$0x1E000] =	vst v63  }
0x86: {  	_ =	swait.ge [sflag:s26], $0x4000  }
0x87: {  	s15 =	sand.u32 $0x4000, s28;
	[sflag:s26] =	ssyncset.done $0x0  }
0x88: {  	s13 =	simm.s32 $0x14100;
	s0 =	sadd.s32 $0x16000, s15;
	[sflag:s26] =	ssyncadd.s32 $0xFFFFC000  }
0x89: {  	[spmem:s4] =	stream.indirect.scatter.add.f32 [tilespmem:s0], [sflag:$0x2], $0x80, s11, s22, $0xb8;
	[tilespmem:$0x1E000] =	vst v63  }
0x8a: {  	s30 =	simm.s32 $0x1;
	s31 =	simm.s32 $0x4000;
	_ =	swait.ge [sflag:s20], $0x4000  }
0x8b: {  	p1 =	por $0x0, $0x0;
	s2 =	simm.s32 $0x15080;
	[sflag:s20] =	ssyncset.done $0x0  }
0x8c: {  	s15 =	simm.s32 @!p1 $0x80;
	s11 =	simm.s32 $0x14180;
	[sflag:s20] =	ssyncadd.s32 $0xFFFFC000  }
.LBB2_11:
0x8d: {  	[tilespmem:s0], [sflag:$0x1] =	stream.indirect.gather @!p1 [hbm4b:s1+s15], $0x80, s13, s15, $0xb8;
	[tilespmem:$0x1E000] =	vst v63  }
0x8e: {  	s15 =	smov.u32 s30;
	s30 =	sadd.s32 $0x1, s30;
	_ =	swait.ge [sflag:s26], $0x4000  }
0x8f: {  	s0 =	sand.u32 $0x4000, s31;
	p0 =	sne.s32 s30, $0x20;
	[sflag:s26] =	ssyncset.done $0x0  }
.Ltmp4:
0x90: {  	s0 =	sadd.s32 $0x16000, s0;
	[sflag:s26] =	ssyncadd.s32 $0xFFFFC000;
	(pc) =	sbr.rel @p0 .LBB2_11-.Ltmp4, $4  }
0x91: {  	[spmem:s4] =	stream.indirect.scatter.add.f32 [tilespmem:s0], [sflag:$0x2], $0x80, s2, s22, $0xb8;
	[tilespmem:$0x1E000] =	vst v63  }
0x92: {  	s31 =	sadd.s32 $0x4000, s31;
	s13 =	smov.u32 s11;
	_ =	swait.ge [sflag:s20], $0x4000  }
0x93: {  	p1 =	sgt.u32 s15, $0x1D;
	s2 =	sadd.s32 $0x80, s2;
	[sflag:s20] =	ssyncset.done $0x0  }
0x94: {  	s11 =	sadd.s32 $0x80, s11;
	s15 =	simm.s32 @!p1 $0x80;
	[sflag:s20] =	ssyncadd.s32 $0xFFFFC000  }
0x95: {  	s29 =	sadd.s32 $0x1, s29  }
0x96: {  	p0 =	sne.s32 s29, $0x5  }
.Ltmp5:
0x97: {  	_ = 	snop;
	(pc) =	sbr.rel @p0 .LBB2_10-.Ltmp5, $2  }
0x98: {  	_ =	sdelay $0x2  }
0x99: {  	[tilespmem:s0], [sflag:$0x1] =	stream.indirect.gather @!p1 [hbm4b:s1+s15], $0x80, s13, s15, $0xb8;
	[tilespmem:$0x1E000] =	vst v63  }
0x9a: {  	[bflag:$0x0] =	sbarrier.arrive $0xFFFF  }
0x9b: {  	s0 =	rddreg [dreg:$0x7]  }
0x9c: {  	[hbm:s0], [sflag:s8] =	dma.local [spmem:s19], $0x2800  }
0x9d: {  	_ =	swait.ge [sflag:s20], $0x2800  }
0x9e: {  	[sflag:s20] =	ssyncset.done $0x0  }
0x9f: {  	[sflag:s20] =	ssyncadd.s32 $0xFFFFD800  }
0xa0: {  	[bflag:$0x0] =	sbarrier.arrive $0xFFFF  }
0xa1: {  	[spmem:s19], [sflag:s8] =	dma.local [hbm:s7], $0x2800  }
0xa2: {  	_ =	swait.ge [sflag:s20], $0x2800  }
0xa3: {  	[sflag:s20] =	ssyncset.done $0x0  }
0xa4: {  	[sflag:s20] =	ssyncadd.s32 $0xFFFFD800  }
0xa5: {  	s28 =	simm.s32 $0x0;
	s29 =	simm.s32 $0x0;
	[bflag:$0x0] =	sbarrier.arrive $0xFFFF  }
.LBB2_14:
0xa6: {  	s0 =	sshll.u32 s29, $0xC  }
0xa7: {  	s2 =	sadd.s32 s16, s0  }
0xa8: {  	s2 =	sshrl.u32 s2, $0x3  }
0xa9: {  	s2 =	sadd.s32 s3, s2  }
0xaa: {  	[tilespmem:s21], [sflag:$0x2] =	stream.linear.gather [hbm4b:s2+s28], $0x1000, $0x38;
	[tilespmem:$0x1E000] =	vst v63  }
0xab: {  	s0 =	sadd.s32 s10, s0;
	_ =	swait.ge [sflag:s20], $0x1000  }
0xac: {  	s0 =	sshrl.u32 s0, $0x3;
	[sflag:s20] =	ssyncset.done $0x0  }
0xad: {  	s11 =	simm.s32 $0x15000;
	s0 =	sadd.s32 s6, s0;
	[sflag:s20] =	ssyncadd.s32 $0xFFFFF000  }
0xae: {  	[tilespmem:s11], [sflag:$0x2] =	stream.linear.gather [hbm4b:s0+s28], $0x1000, $0x38;
	[tilespmem:$0x1E000] =	vst v63  }
0xaf: {  	_ =	swait.ge [sflag:s20], $0x1000  }
0xb0: {  	[sflag:s20] =	ssyncset.done $0x0  }
0xb1: {  	[sflag:s20] =	ssyncadd.s32 $0xFFFFF000  }
0xb2: {  	[tilespmem:s23], [sflag:$0x1] =	stream.indirect.gather [hbm4b:s1+s22], $0x80, s21, s22, $0xb8;
	[tilespmem:$0x1E000] =	vst v63  }
0xb3: {  	_ = 	snop  }
0xb4: {  	[tilespmem:s25], [sflag:$0x1] =	stream.indirect.gather [hbm4b:s1+s22], $0x80, s24, s22, $0xb8;
	[tilespmem:$0x1E000] =	vst v63  }
0xb5: {  	_ =	swait.ge [sflag:s26], $0x4000  }
0xb6: {  	s15 =	sand.u32 $0x4000, s28;
	[sflag:s26] =	ssyncset.done $0x0  }
0xb7: {  	s13 =	simm.s32 $0x14100;
	s0 =	sadd.s32 $0x16000, s15;
	[sflag:s26] =	ssyncadd.s32 $0xFFFFC000  }
0xb8: {  	[spmem:s4] =	stream.indirect.scatter.add.f32 [tilespmem:s0], [sflag:$0x2], $0x80, s11, s22, $0xb8;
	[tilespmem:$0x1E000] =	vst v63  }
0xb9: {  	s30 =	simm.s32 $0x1;
	s31 =	simm.s32 $0x4000;
	_ =	swait.ge [sflag:s20], $0x4000  }
0xba: {  	p1 =	por $0x0, $0x0;
	s2 =	simm.s32 $0x15080;
	[sflag:s20] =	ssyncset.done $0x0  }
0xbb: {  	s15 =	simm.s32 @!p1 $0x80;
	s11 =	simm.s32 $0x14180;
	[sflag:s20] =	ssyncadd.s32 $0xFFFFC000  }
.LBB2_15:
0xbc: {  	[tilespmem:s0], [sflag:$0x1] =	stream.indirect.gather @!p1 [hbm4b:s1+s15], $0x80, s13, s15, $0xb8;
	[tilespmem:$0x1E000] =	vst v63  }
0xbd: {  	s15 =	smov.u32 s30;
	s30 =	sadd.s32 $0x1, s30;
	_ =	swait.ge [sflag:s26], $0x4000  }
0xbe: {  	s0 =	sand.u32 $0x4000, s31;
	p0 =	sne.s32 s30, $0x20;
	[sflag:s26] =	ssyncset.done $0x0  }
.Ltmp6:
0xbf: {  	s0 =	sadd.s32 $0x16000, s0;
	[sflag:s26] =	ssyncadd.s32 $0xFFFFC000;
	(pc) =	sbr.rel @p0 .LBB2_15-.Ltmp6, $4  }
0xc0: {  	[spmem:s4] =	stream.indirect.scatter.add.f32 [tilespmem:s0], [sflag:$0x2], $0x80, s2, s22, $0xb8;
	[tilespmem:$0x1E000] =	vst v63  }
0xc1: {  	s31 =	sadd.s32 $0x4000, s31;
	s13 =	smov.u32 s11;
	_ =	swait.ge [sflag:s20], $0x4000  }
0xc2: {  	p1 =	sgt.u32 s15, $0x1D;
	s2 =	sadd.s32 $0x80, s2;
	[sflag:s20] =	ssyncset.done $0x0  }
0xc3: {  	s11 =	sadd.s32 $0x80, s11;
	s15 =	simm.s32 @!p1 $0x80;
	[sflag:s20] =	ssyncadd.s32 $0xFFFFC000  }
0xc4: {  	s29 =	sadd.s32 $0x1, s29  }
0xc5: {  	p0 =	sne.s32 s29, $0x5  }
.Ltmp7:
0xc6: {  	_ = 	snop;
	(pc) =	sbr.rel @p0 .LBB2_14-.Ltmp7, $2  }
0xc7: {  	_ =	sdelay $0x2  }
0xc8: {  	[tilespmem:s0], [sflag:$0x1] =	stream.indirect.gather @!p1 [hbm4b:s1+s15], $0x80, s13, s15, $0xb8;
	[tilespmem:$0x1E000] =	vst v63  }
0xc9: {  	[bflag:$0x0] =	sbarrier.arrive $0xFFFF;
	s5 =	sadd.s32 $0x1, s5  }
0xca: {  	[hbm:s17], [sflag:s8] =	dma.local [spmem:s19], $0x2800  }
0xcb: {  	p0 =	sne.s32 s5, s18  }
.Ltmp8:
0xcc: {  	_ =	swait.ge [sflag:s20], $0x2800;
	(pc) =	sbr.rel @p0 .LBB2_1-.Ltmp8, $3  }
0xcd: {  	[sflag:s20] =	ssyncset.done $0x0  }
0xce: {  	[sflag:s20] =	ssyncadd.s32 $0xFFFFD800  }
0xcf: {  	[bflag:$0x0] =	sbarrier.arrive $0xFFFF;
	_ =	sdelay $0x1  }
0xd0: {  	_ =	sfence.sel $0x180000  }
0xd1: {  	[bflag:$0x0] =	sbarrier.arrive $0xFFFF  }
0xd2: {  	_ =	strace $0x90000047  }
0xd3: {  	s0 =	stileid.u32;
	[bflag:$0x2] =	sbarrier.arrive $0xFFFF  }
0xd4: {  	p0 =	sne.s32 s0, $0x0;
	s0 =	rddreg [dreg:$0x4]  }
0xd5: {  	s0 =	sadd.s32 @!p0 $0x100000, s0  }
0xd6: {  	[sflag:s0] =	ssyncadd.tile.s32 @!p0 $0x1;
	_ =	shalt  }
.Lfunc_end2:
_tile_overlayer_lowered:
.L_overlay_start_2:
0xd7: {  	(tag) =	ssettag $0x2  }
0xd8: {  	s0 =	rddreg [dreg:$0x0];
	s2 =	stileid.u32  }
0xd9: {  	s1 =	rddreg [dreg:$0x1];
	p0 =	sne.s32 s2, $0x0  }
0xda: {  	s3 =	rddreg [dreg:$0x2];
	[bflag:$0x3] =	sbarrier.arrive $0xFFFF;
	s2 =	simm.s32 @!p0 $0x1C02  }
0xdb: {  	[timem:s3], [sflag:s2] =	dma.local @!p0 [hbm:s0], s1  }
0xdc: {  	s0 =	simm.s32 @!p0 $0x2  }
0xdd: {  	_ =	swait.ge @!p0 [sflag:s0], s1  }
0xde: {  	s1 =	ssub.s32 @!p0 $0x0, s1;
	[sflag:s0] =	ssyncset.done @!p0 $0x0  }
0xdf: {  	[sflag:s0] =	ssyncadd.s32 @!p0 s1  }
0xe0: {  	[bflag:$0x3] =	sbarrier.arrive $0xFFFF  }
0xe1: {  	_ =	shalt  }

</sc_bundles>
